<compile_context>
chip_gen: v7x
topology: tpu7x:2x2x1
jax: 0.10.2.dev20260603
libtpu: 0.0.44.dev20260713+nightly
codegen_flags: <defaults>
</compile_context>

<pallas_src>
import functools

import jax
import jax.numpy as jnp
from jax import lax
from jax.experimental import pallas as pl
from jax.experimental.pallas import tpu as pltpu
from jax.experimental.pallas import tpu_sc as plsc

N_NODES = 9999
N_PAD = 10112
NUM_GRAPHS = 1111
NPG = 9
NC = 2
NS = 16
NW = NC * NS
CHUNK = 256
CPW = 40
NBUF = 4
EPW = CPW * CHUNK
E_PAD = NW * EPW
CPT2 = CPW * NC
ROWS_PER_TILE = N_PAD // NS
DEG_F = 8


def _mesh():
    return plsc.VectorSubcoreMesh(core_axis_name="c", subcore_axis_name="s")


_SC_PARAMS = pltpu.CompilerParams(use_tc_tiling_on_sc=False)


def _sc_degree(dst_r, ones_col, zeros_col):

    @functools.partial(
        pl.kernel,
        out_type=jax.ShapeDtypeStruct((NC, N_PAD, DEG_F), jnp.float32),
        mesh=_mesh(),
        compiler_params=_SC_PARAMS,
        scratch_types=[
            pltpu.VMEM((CPW, CHUNK), jnp.int32),
            pltpu.VMEM((CHUNK, DEG_F), jnp.float32),
            pltpu.VMEM_SHARED((N_PAD, DEG_F), jnp.float32),
        ],
    )
    def deg_kernel(dst_hbm, ones_hbm, zeros_hbm, out_hbm, dst_v, ones_v, acc_sh):
        cid = lax.axis_index("c")
        sid = lax.axis_index("s")
        wid = sid * NC + cid
        pltpu.sync_copy(dst_hbm.at[wid], dst_v)
        pltpu.sync_copy(ones_hbm, ones_v)
        r0 = sid * ROWS_PER_TILE
        pltpu.sync_copy(zeros_hbm.at[pl.ds(r0, ROWS_PER_TILE)],
                        acc_sh.at[pl.ds(r0, ROWS_PER_TILE)])
        plsc.subcore_barrier()

        def body(j, carry):
            pltpu.sync_copy(ones_v, acc_sh.at[dst_v.at[j]], add=True)
            return carry

        lax.fori_loop(0, CPW, body, 0)
        plsc.subcore_barrier()
        pltpu.sync_copy(acc_sh.at[pl.ds(r0, ROWS_PER_TILE)],
                        out_hbm.at[cid, pl.ds(r0, ROWS_PER_TILE)])

    return deg_kernel(dst_r, ones_col, zeros_col)


def _sc_edge_agg(table, src_r, dst_r, zeros_tab, feat, stage_table=False):

    scratch = [
        pltpu.VMEM((CPW, CHUNK), jnp.int32),
        pltpu.VMEM((CPW, CHUNK), jnp.int32),
        [pltpu.VMEM((CHUNK, feat), jnp.float32) for _ in range(NBUF)],
        [pltpu.SemaphoreType.DMA for _ in range(NBUF)],
        [pltpu.SemaphoreType.DMA for _ in range(NBUF)],
        pltpu.VMEM_SHARED((N_PAD, feat), jnp.float32),
    ]
    if stage_table:
        scratch.append(pltpu.VMEM_SHARED((N_PAD, feat), jnp.float32))

    @functools.partial(
        pl.kernel,
        out_type=jax.ShapeDtypeStruct((NC, N_PAD, feat), jnp.float32),
        mesh=_mesh(),
        compiler_params=_SC_PARAMS,
        scratch_types=scratch,
    )
    def agg_kernel(tab_hbm, src_hbm, dst_hbm, zeros_hbm, out_hbm,
                   src_v, dst_v, bufs, gsems, ssems, acc_sh, *maybe_tab):
        tab_ref = maybe_tab[0] if stage_table else tab_hbm
        cid = lax.axis_index("c")
        sid = lax.axis_index("s")
        wid = sid * NC + cid
        pltpu.sync_copy(src_hbm.at[wid], src_v)
        pltpu.sync_copy(dst_hbm.at[wid], dst_v)
        r0 = sid * ROWS_PER_TILE

        if stage_table:
            pltpu.sync_copy(tab_hbm.at[pl.ds(r0, ROWS_PER_TILE)],
                            tab_ref.at[pl.ds(r0, ROWS_PER_TILE)])

        @pl.when(cid == 0)
        def _():
            pltpu.sync_copy(tab_hbm.at[pl.ds(r0, ROWS_PER_TILE)],
                            acc_sh.at[pl.ds(r0, ROWS_PER_TILE)])

        @pl.when(cid != 0)
        def _():
            pltpu.sync_copy(zeros_hbm.at[pl.ds(r0, ROWS_PER_TILE)],
                            acc_sh.at[pl.ds(r0, ROWS_PER_TILE)])

        plsc.subcore_barrier()

        def wait_gather(b):
            pltpu.make_async_copy(tab_hbm.at[pl.ds(0, CHUNK)], bufs[b],
                                  gsems[b]).wait()

        def wait_scatter(b):
            pltpu.make_async_copy(bufs[b], acc_sh.at[dst_v.at[0]],
                                  ssems[b]).wait()

        def body(t, carry):
            j0 = NBUF * t
            for b in range(NBUF):
                @pl.when(t > 0)
                def _(b=b):
                    wait_scatter(b)
                pltpu.async_copy(tab_ref.at[src_v.at[j0 + b]], bufs[b],
                                 gsems[b])
            for b in range(NBUF):
                wait_gather(b)
                pltpu.async_copy(bufs[b], acc_sh.at[dst_v.at[j0 + b]],
                                 ssems[b], add=True)
            return carry

        lax.fori_loop(0, CPW // NBUF, body, 0)
        for b in range(NBUF):
            wait_scatter(b)
        plsc.subcore_barrier()
        pltpu.sync_copy(acc_sh.at[pl.ds(r0, ROWS_PER_TILE)],
                        out_hbm.at[cid, pl.ds(r0, ROWS_PER_TILE)])

    return agg_kernel(table, src_r, dst_r, zeros_tab)


def _sc_edge_agg_halves(tab_a, tab_b, src_r2, dst_r2):

    @functools.partial(
        pl.kernel,
        out_type=jax.ShapeDtypeStruct((NC, N_PAD, 32), jnp.float32),
        mesh=_mesh(),
        compiler_params=_SC_PARAMS,
        scratch_types=[
            pltpu.VMEM((CPT2, CHUNK), jnp.int32),
            pltpu.VMEM((CPT2, CHUNK), jnp.int32),
            [pltpu.VMEM((CHUNK, 32), jnp.float32) for _ in range(NBUF)],
            [pltpu.SemaphoreType.DMA for _ in range(NBUF)],
            [pltpu.SemaphoreType.DMA for _ in range(NBUF)],
            pltpu.VMEM_SHARED((N_PAD, 32), jnp.float32),
            pltpu.VMEM_SHARED((N_PAD, 32), jnp.float32),
        ],
    )
    def agg_kernel(taba_hbm, tabb_hbm, src_hbm, dst_hbm, out_hbm,
                   src_v, dst_v, bufs, gsems, ssems, acc_sh, tab_sh):
        cid = lax.axis_index("c")
        sid = lax.axis_index("s")
        pltpu.sync_copy(src_hbm.at[sid], src_v)
        pltpu.sync_copy(dst_hbm.at[sid], dst_v)
        r0 = sid * ROWS_PER_TILE

        @pl.when(cid == 0)
        def _():
            pltpu.sync_copy(taba_hbm.at[pl.ds(r0, ROWS_PER_TILE)],
                            tab_sh.at[pl.ds(r0, ROWS_PER_TILE)])
            pltpu.sync_copy(taba_hbm.at[pl.ds(r0, ROWS_PER_TILE)],
                            acc_sh.at[pl.ds(r0, ROWS_PER_TILE)])

        @pl.when(cid != 0)
        def _():
            pltpu.sync_copy(tabb_hbm.at[pl.ds(r0, ROWS_PER_TILE)],
                            tab_sh.at[pl.ds(r0, ROWS_PER_TILE)])
            pltpu.sync_copy(tabb_hbm.at[pl.ds(r0, ROWS_PER_TILE)],
                            acc_sh.at[pl.ds(r0, ROWS_PER_TILE)])

        plsc.subcore_barrier()

        def wait_gather(b):
            pltpu.make_async_copy(taba_hbm.at[pl.ds(0, CHUNK)], bufs[b],
                                  gsems[b]).wait()

        def wait_scatter(b):
            pltpu.make_async_copy(bufs[b], acc_sh.at[dst_v.at[0]],
                                  ssems[b]).wait()

        def body(t, carry):
            j0 = NBUF * t
            for b in range(NBUF):
                @pl.when(t > 0)
                def _(b=b):
                    wait_scatter(b)
                pltpu.async_copy(tab_sh.at[src_v.at[j0 + b]], bufs[b],
                                 gsems[b])
            for b in range(NBUF):
                wait_gather(b)
                pltpu.async_copy(bufs[b], acc_sh.at[dst_v.at[j0 + b]],
                                 ssems[b], add=True)
            return carry

        lax.fori_loop(0, CPT2 // NBUF, body, 0)
        for b in range(NBUF):
            wait_scatter(b)
        plsc.subcore_barrier()
        pltpu.sync_copy(acc_sh.at[pl.ds(r0, ROWS_PER_TILE)],
                        out_hbm.at[cid, pl.ds(r0, ROWS_PER_TILE)])

    return agg_kernel(tab_a, tab_b, src_r2, dst_r2)


def _tc_dense1(x_pad, deg_ab, w1):

    def body(x_ref, deg_ref, w_ref, scaled_ref, dinv_ref):
        deg = deg_ref[0, :, :1] + deg_ref[1, :, :1] + 1.0
        dinv = lax.rsqrt(deg)
        h = jnp.dot(x_ref[...], w_ref[...], preferred_element_type=jnp.float32)
        scaled_ref[...] = h * dinv
        dinv_ref[...] = dinv

    return pl.pallas_call(
        body,
        out_shape=(jax.ShapeDtypeStruct((N_PAD, 32), jnp.float32),
                   jax.ShapeDtypeStruct((N_PAD, 1), jnp.float32)),
    )(x_pad, deg_ab, w1)


def _tc_dense2(agg_ab, dinv, b1, w2):

    def body(agg_ref, dinv_ref, b_ref, w_ref, outa_ref, outb_ref):
        dinv = dinv_ref[...]
        tot = agg_ref[0] + agg_ref[1]
        out1 = jnp.maximum(tot * dinv + b_ref[...], 0.0)
        h2 = jnp.dot(out1, w_ref[...], preferred_element_type=jnp.float32)
        scaled2 = h2 * dinv
        outa_ref[...] = scaled2[:, :32]
        outb_ref[...] = scaled2[:, 32:]

    return pl.pallas_call(
        body,
        out_shape=(jax.ShapeDtypeStruct((N_PAD, 32), jnp.float32),
                   jax.ShapeDtypeStruct((N_PAD, 32), jnp.float32)),
    )(agg_ab, dinv, b1, w2)


def _tc_dense3(agg2, dinv, b2):

    def body(agg_ref, dinv_ref, b_ref, out_ref):
        tot = jnp.concatenate([agg_ref[0], agg_ref[1]], axis=1)
        out_ref[...] = jnp.maximum(tot * dinv_ref[...] + b_ref[...], 0.0)

    return pl.pallas_call(
        body,
        out_shape=jax.ShapeDtypeStruct((N_PAD, 64), jnp.float32),
    )(agg2, dinv, b2)


def _tc_heads(x3, wtop, wbot, bf1, wf2, bf2):

    def body(x3_ref, wtop_ref, wbot_ref, bf1_ref, wf2_ref, bf2_ref, out_ref):
        x3 = x3_ref[...]
        ctx = x3[:, 0:64]
        for k in range(1, NPG):
            ctx = ctx + x3[:, 64 * k:64 * k + 64]
        ctx = ctx * (1.0 / NPG)
        ctx_part = jnp.dot(ctx, wbot_ref[...], preferred_element_type=jnp.float32)
        qs = []
        for node in (0, 8):
            s = x3[:, 64 * node:64 * node + 64]
            pre = jnp.dot(s, wtop_ref[...], preferred_element_type=jnp.float32)
            pre = jnp.maximum(pre + ctx_part + bf1_ref[...], 0.0)
            q = jnp.dot(pre, wf2_ref[...], preferred_element_type=jnp.float32)
            qs.append(q + bf2_ref[...])
        out_ref[...] = jnp.concatenate(qs, axis=1)

    rows = x3.shape[0]
    return pl.pallas_call(
        body,
        out_shape=jax.ShapeDtypeStruct((rows, 2), jnp.float32),
    )(x3, wtop, wbot, bf1, wf2, bf2)


def kernel(x, edge_index, batch, W1, b1, W2, b2, Wf1, bf1, Wf2, bf2):
    del batch

    src = edge_index[0].astype(jnp.int32)
    dst = edge_index[1].astype(jnp.int32)
    n_edges = src.shape[0]
    pad = E_PAD - n_edges
    src_p = jnp.concatenate([src, jnp.zeros((pad,), jnp.int32)])
    dst_p = jnp.concatenate([dst, jnp.full((pad,), N_NODES, jnp.int32)])
    src_r = src_p.reshape(NW, CPW, CHUNK)
    dst_r = dst_p.reshape(NW, CPW, CHUNK)
    src_r2 = src_p.reshape(NS, CPT2, CHUNK)
    dst_r2 = dst_p.reshape(NS, CPT2, CHUNK)

    x_pad = jnp.concatenate([x, jnp.zeros((N_PAD - N_NODES, x.shape[1]), x.dtype)])
    ones_col = jnp.ones((CHUNK, DEG_F), jnp.float32)
    zeros_col = jnp.zeros((N_PAD, DEG_F), jnp.float32)
    zeros32 = jnp.zeros((N_PAD, 32), jnp.float32)

    deg_ab = _sc_degree(dst_r, ones_col, zeros_col)
    scaled1, dinv = _tc_dense1(x_pad, deg_ab, W1)

    agg1 = _sc_edge_agg(scaled1, src_r, dst_r, zeros32, 32, stage_table=True)
    scaled2a, scaled2b = _tc_dense2(agg1, dinv, b1.reshape(1, 32), W2)

    agg2 = _sc_edge_agg_halves(scaled2a, scaled2b, src_r2, dst_r2)
    out2 = _tc_dense3(agg2, dinv, b2.reshape(1, 64))

    x3 = out2[:N_NODES].reshape(NUM_GRAPHS, NPG * 64)
    x3 = jnp.concatenate([x3, jnp.zeros((1, NPG * 64), jnp.float32)])
    q = _tc_heads(x3, Wf1[:64], Wf1[64:], bf1.reshape(1, 64), Wf2,
                  bf2.reshape(1, 1))
    return q[:NUM_GRAPHS]

# --- scband reference (transcript-rebuilt; emitter-appended) ---
"""Pipeline reference for scband-graph-qnetwork-70025146794593 (READ-ONLY COPY).

The authoritative reference and input builder live on the scoring server;
editing this copy changes nothing except your own understanding.
"""

import jax, jax.numpy as jnp
import numpy as np

N_NODES = 9999
N_EDGES = 319968
NUM_GRAPHS = 1111
NODES_PER_GRAPH = 9
STATION_NODE_IDS = (0, 8)
D_FEAT = 128


def setup_inputs(seed: int = 0) -> dict:
    key = jax.random.key(seed)
    ks = jax.random.split(key, 12)
    x = jax.random.normal(ks[0], (N_NODES, D_FEAT), dtype=jnp.float32)
    edge_index = jax.random.randint(ks[1], (2, N_EDGES), 0, N_NODES, dtype=jnp.int64 if jax.config.jax_enable_x64 else jnp.int32)
    batch = jnp.repeat(jnp.arange(NUM_GRAPHS, dtype=jnp.int32), NODES_PER_GRAPH)
    # GCNConv weights (glorot-ish scale)
    W1 = jax.random.normal(ks[2], (D_FEAT, 32), dtype=jnp.float32) * (1.0 / np.sqrt(D_FEAT))
    b1 = jnp.zeros((32,), dtype=jnp.float32)
    W2 = jax.random.normal(ks[3], (32, 64), dtype=jnp.float32) * (1.0 / np.sqrt(32))
    b2 = jnp.zeros((64,), dtype=jnp.float32)
    Wf1 = jax.random.normal(ks[4], (128, 64), dtype=jnp.float32) * (1.0 / np.sqrt(128))
    bf1 = jnp.zeros((64,), dtype=jnp.float32)
    Wf2 = jax.random.normal(ks[5], (64, 1), dtype=jnp.float32) * (1.0 / np.sqrt(64))
    bf2 = jnp.zeros((1,), dtype=jnp.float32)
    return {"x": x, "edge_index": edge_index, "batch": batch,
            "W1": W1, "b1": b1, "W2": W2, "b2": b2,
            "Wf1": Wf1, "bf1": bf1, "Wf2": Wf2, "bf2": bf2}


def _gcn_conv(x, edge_index, W, b):
    # PyG GCNConv: add self-loops, symmetric normalization D^-1/2 (A+I) D^-1/2 (X W) + b
    N = x.shape[0]
    loop = jnp.arange(N, dtype=edge_index.dtype)
    src = jnp.concatenate([edge_index[0], loop])
    dst = jnp.concatenate([edge_index[1], loop])
    deg = jax.ops.segment_sum(jnp.ones_like(src, dtype=x.dtype), dst, num_segments=N)
    dinv = jnp.where(deg > 0, deg ** -0.5, 0.0)
    norm = dinv[src] * dinv[dst]
    h = x @ W
    msg = h[src] * norm[:, None]
    out = jax.ops.segment_sum(msg, dst, num_segments=N)
    return out + b


def reference(x, edge_index, batch, W1, b1, W2, b2, Wf1, bf1, Wf2, bf2):
    N = x.shape[0]
    h = jax.nn.relu(_gcn_conv(x, edge_index, W1, b1))
    h = jax.nn.relu(_gcn_conv(h, edge_index, W2, b2))
    # global_mean_pool
    B = NUM_GRAPHS
    counts = jax.ops.segment_sum(jnp.ones((N,), dtype=h.dtype), batch, num_segments=B)
    sums = jax.ops.segment_sum(h, batch, num_segments=B)
    global_ctx = sums / jnp.maximum(counts, 1.0)[:, None]
    q_values_list = []
    for node_id in STATION_NODE_IDS:
        indices = jnp.arange(B) * NODES_PER_GRAPH + node_id
        station_emb = h[indices]
        combined = jnp.concatenate([station_emb, global_ctx], axis=1)
        q = jax.nn.relu(combined @ Wf1 + bf1)
        q = q @ Wf2 + bf2
        q_values_list.append(q)
    return jnp.concatenate(q_values_list, axis=1)

if __name__ == "__main__":
    import jax
    _d = setup_inputs()
    print(jax.jit(kernel)(*tuple(_d.values())))

</pallas_src>

<mosaic_0001>
#map = affine_map<(d0, d1) -> (0, 0)>
#map1 = affine_map<(d0, d1) -> (0, 0, 0)>
module attributes {stable_mosaic.version = 14 : i64} {
  func.func @agg_kernel(%arg0: i32, %arg1: i32, %arg2: memref<10112x32xf32, #tpu.memory_space<hbm>>, %arg3: memref<32x40x256xi32, #tpu.memory_space<hbm>>, %arg4: memref<32x40x256xi32, #tpu.memory_space<hbm>>, %arg5: memref<10112x32xf32, #tpu.memory_space<hbm>>, %arg6: memref<2x10112x32xf32, #tpu.memory_space<hbm>>, %arg7: memref<40x256xi32, #tpu.memory_space<vmem>>, %arg8: memref<40x256xi32, #tpu.memory_space<vmem>>, %arg9: memref<256x32xf32, #tpu.memory_space<vmem>>, %arg10: memref<256x32xf32, #tpu.memory_space<vmem>>, %arg11: memref<256x32xf32, #tpu.memory_space<vmem>>, %arg12: memref<256x32xf32, #tpu.memory_space<vmem>>, %arg13: memref<!tpu.dma_semaphore, #tpu.memory_space<semaphore_mem>>, %arg14: memref<!tpu.dma_semaphore, #tpu.memory_space<semaphore_mem>>, %arg15: memref<!tpu.dma_semaphore, #tpu.memory_space<semaphore_mem>>, %arg16: memref<!tpu.dma_semaphore, #tpu.memory_space<semaphore_mem>>, %arg17: memref<!tpu.dma_semaphore, #tpu.memory_space<semaphore_mem>>, %arg18: memref<!tpu.dma_semaphore, #tpu.memory_space<semaphore_mem>>, %arg19: memref<!tpu.dma_semaphore, #tpu.memory_space<semaphore_mem>>, %arg20: memref<!tpu.dma_semaphore, #tpu.memory_space<semaphore_mem>>, %arg21: memref<10112x32xf32, #tpu.memory_space<vmem_shared>>, %arg22: memref<10112x32xf32, #tpu.memory_space<vmem_shared>>) attributes {dimension_semantics = [#tpu.dimension_semantics<core_parallel>, #tpu.dimension_semantics<subcore_parallel>], iteration_bounds = array<i64: 2, 16>, scalar_prefetch = 0 : i64, scratch_operands = 16 : i64, tpu.core_type = #tpu.core_type<sc_vector_subcore>, window_params = [{transform_indices = #map}, {transform_indices = #map1}, {transform_indices = #map1}, {transform_indices = #map}, {transform_indices = #map1}]} {
    %mul3A = arith.constant 2 : i32
    %mul3A_0 = arith.muli %arg1, %mul3A : i32
    %add3A = arith.addi %mul3A_0, %arg0 : i32
    "tpu.region"() ({
      %run_scoped3A = tpu.sem_alloc : memref<!tpu.dma_semaphore, #tpu.memory_space<semaphore_mem>>
      %dma_start3A = arith.constant 0 : i32
      %dma_start3A_42 = arith.constant 0 : i32
      %dma_start3A_43 = tpu.memref_slice %arg3[%add3A, %dma_start3A, %dma_start3A_42] : memref<32x40x256xi32, #tpu.memory_space<hbm>> -> memref<1x40x256xi32, #tpu.memory_space<hbm>>
      %dma_start3A_44 = tpu.memref_squeeze %dma_start3A_43 : memref<1x40x256xi32, #tpu.memory_space<hbm>> -> memref<40x256xi32, #tpu.memory_space<hbm>>
      %dma_start3A_45 = arith.constant 0 : i32
      %dma_start3A_46 = arith.constant 0 : i32
      %dma_start3A_47 = tpu.memref_slice %arg3[%add3A, %dma_start3A_45, %dma_start3A_46] : memref<32x40x256xi32, #tpu.memory_space<hbm>> -> memref<1x40x256xi32, #tpu.memory_space<hbm>>
      %dma_start3A_48 = tpu.memref_squeeze %dma_start3A_47 : memref<1x40x256xi32, #tpu.memory_space<hbm>> -> memref<40x256xi32, #tpu.memory_space<hbm>>
      tpu.enqueue_dma source(%dma_start3A_48 : memref<40x256xi32, #tpu.memory_space<hbm>>) target(%arg7 : memref<40x256xi32, #tpu.memory_space<vmem>>) target_semaphore(%run_scoped3A : memref<!tpu.dma_semaphore, #tpu.memory_space<semaphore_mem>>)
      %dma_wait3A_49 = arith.constant 0 : i32
      %dma_wait3A_50 = arith.constant 0 : i32
      %dma_wait3A_51 = tpu.memref_slice %arg3[%add3A, %dma_wait3A_49, %dma_wait3A_50] : memref<32x40x256xi32, #tpu.memory_space<hbm>> -> memref<1x40x256xi32, #tpu.memory_space<hbm>>
      %dma_wait3A_52 = tpu.memref_squeeze %dma_wait3A_51 : memref<1x40x256xi32, #tpu.memory_space<hbm>> -> memref<40x256xi32, #tpu.memory_space<hbm>>
      %dma_wait3A_53 = arith.constant 0 : i32
      %dma_wait3A_54 = arith.constant 0 : i32
      %dma_wait3A_55 = tpu.memref_slice %arg3[%add3A, %dma_wait3A_53, %dma_wait3A_54] : memref<32x40x256xi32, #tpu.memory_space<hbm>> -> memref<1x40x256xi32, #tpu.memory_space<hbm>>
      %dma_wait3A_56 = tpu.memref_squeeze %dma_wait3A_55 : memref<1x40x256xi32, #tpu.memory_space<hbm>> -> memref<40x256xi32, #tpu.memory_space<hbm>>
      tpu.wait_dma2 semaphore(%run_scoped3A : memref<!tpu.dma_semaphore, #tpu.memory_space<semaphore_mem>>) src(%dma_wait3A_56 : memref<40x256xi32, #tpu.memory_space<hbm>>) dst(%arg7 : memref<40x256xi32, #tpu.memory_space<vmem>>)
      tpu.yield
    }) : () -> ()
    "tpu.region"() ({
      %run_scoped3A = tpu.sem_alloc : memref<!tpu.dma_semaphore, #tpu.memory_space<semaphore_mem>>
      %dma_start3A = arith.constant 0 : i32
      %dma_start3A_42 = arith.constant 0 : i32
      %dma_start3A_43 = tpu.memref_slice %arg4[%add3A, %dma_start3A, %dma_start3A_42] : memref<32x40x256xi32, #tpu.memory_space<hbm>> -> memref<1x40x256xi32, #tpu.memory_space<hbm>>
      %dma_start3A_44 = tpu.memref_squeeze %dma_start3A_43 : memref<1x40x256xi32, #tpu.memory_space<hbm>> -> memref<40x256xi32, #tpu.memory_space<hbm>>
      %dma_start3A_45 = arith.constant 0 : i32
      %dma_start3A_46 = arith.constant 0 : i32
      %dma_start3A_47 = tpu.memref_slice %arg4[%add3A, %dma_start3A_45, %dma_start3A_46] : memref<32x40x256xi32, #tpu.memory_space<hbm>> -> memref<1x40x256xi32, #tpu.memory_space<hbm>>
      %dma_start3A_48 = tpu.memref_squeeze %dma_start3A_47 : memref<1x40x256xi32, #tpu.memory_space<hbm>> -> memref<40x256xi32, #tpu.memory_space<hbm>>
      tpu.enqueue_dma source(%dma_start3A_48 : memref<40x256xi32, #tpu.memory_space<hbm>>) target(%arg8 : memref<40x256xi32, #tpu.memory_space<vmem>>) target_semaphore(%run_scoped3A : memref<!tpu.dma_semaphore, #tpu.memory_space<semaphore_mem>>)
      %dma_wait3A_49 = arith.constant 0 : i32
      %dma_wait3A_50 = arith.constant 0 : i32
      %dma_wait3A_51 = tpu.memref_slice %arg4[%add3A, %dma_wait3A_49, %dma_wait3A_50] : memref<32x40x256xi32, #tpu.memory_space<hbm>> -> memref<1x40x256xi32, #tpu.memory_space<hbm>>
      %dma_wait3A_52 = tpu.memref_squeeze %dma_wait3A_51 : memref<1x40x256xi32, #tpu.memory_space<hbm>> -> memref<40x256xi32, #tpu.memory_space<hbm>>
      %dma_wait3A_53 = arith.constant 0 : i32
      %dma_wait3A_54 = arith.constant 0 : i32
      %dma_wait3A_55 = tpu.memref_slice %arg4[%add3A, %dma_wait3A_53, %dma_wait3A_54] : memref<32x40x256xi32, #tpu.memory_space<hbm>> -> memref<1x40x256xi32, #tpu.memory_space<hbm>>
      %dma_wait3A_56 = tpu.memref_squeeze %dma_wait3A_55 : memref<1x40x256xi32, #tpu.memory_space<hbm>> -> memref<40x256xi32, #tpu.memory_space<hbm>>
      tpu.wait_dma2 semaphore(%run_scoped3A : memref<!tpu.dma_semaphore, #tpu.memory_space<semaphore_mem>>) src(%dma_wait3A_56 : memref<40x256xi32, #tpu.memory_space<hbm>>) dst(%arg8 : memref<40x256xi32, #tpu.memory_space<vmem>>)
      tpu.yield
    }) : () -> ()
    %mul3A_1 = arith.constant 632 : i32
    %mul3A_2 = arith.muli %arg1, %mul3A_1 : i32
    "tpu.region"() ({
      %run_scoped3A = tpu.sem_alloc : memref<!tpu.dma_semaphore, #tpu.memory_space<semaphore_mem>>
      %dma_start3A = arith.constant 0 : i32
      %dma_start3A_42 = tpu.memref_slice %arg22[%mul3A_2, %dma_start3A] : memref<10112x32xf32, #tpu.memory_space<vmem_shared>> -> memref<632x32xf32, #tpu.memory_space<vmem_shared>>
      %dma_start3A_43 = arith.constant 0 : i32
      %dma_start3A_44 = tpu.memref_slice %arg2[%mul3A_2, %dma_start3A_43] : memref<10112x32xf32, #tpu.memory_space<hbm>> -> memref<632x32xf32, #tpu.memory_space<hbm>>
      tpu.enqueue_dma source(%dma_start3A_44 : memref<632x32xf32, #tpu.memory_space<hbm>>) target(%dma_start3A_42 : memref<632x32xf32, #tpu.memory_space<vmem_shared>>) target_semaphore(%run_scoped3A : memref<!tpu.dma_semaphore, #tpu.memory_space<semaphore_mem>>)
      %dma_wait3A_45 = arith.constant 0 : i32
      %dma_wait3A_46 = tpu.memref_slice %arg22[%mul3A_2, %dma_wait3A_45] : memref<10112x32xf32, #tpu.memory_space<vmem_shared>> -> memref<632x32xf32, #tpu.memory_space<vmem_shared>>
      %dma_wait3A_47 = arith.constant 0 : i32
      %dma_wait3A_48 = tpu.memref_slice %arg2[%mul3A_2, %dma_wait3A_47] : memref<10112x32xf32, #tpu.memory_space<hbm>> -> memref<632x32xf32, #tpu.memory_space<hbm>>
      tpu.wait_dma2 semaphore(%run_scoped3A : memref<!tpu.dma_semaphore, #tpu.memory_space<semaphore_mem>>) src(%dma_wait3A_48 : memref<632x32xf32, #tpu.memory_space<hbm>>) dst(%dma_wait3A_46 : memref<632x32xf32, #tpu.memory_space<vmem_shared>>)
      tpu.yield
    }) : () -> ()
    %eq3A = arith.constant 0 : i32
    %eq3A_3 = arith.cmpi eq, %arg0, %eq3A : i32
    %convert_element_type3A = arith.extui %eq3A_3 : i1 to i32
    %cond3A = arith.constant 0 : i32
    %cond3A_4 = arith.cmpi ne, %convert_element_type3A, %cond3A : i32
    scf.if %cond3A_4 {
      "tpu.region"() ({
        %run_scoped3A = tpu.sem_alloc : memref<!tpu.dma_semaphore, #tpu.memory_space<semaphore_mem>>
        %dma_start3A = arith.constant 0 : i32
        %dma_start3A_42 = tpu.memref_slice %arg21[%mul3A_2, %dma_start3A] : memref<10112x32xf32, #tpu.memory_space<vmem_shared>> -> memref<632x32xf32, #tpu.memory_space<vmem_shared>>
        %dma_start3A_43 = arith.constant 0 : i32
        %dma_start3A_44 = tpu.memref_slice %arg2[%mul3A_2, %dma_start3A_43] : memref<10112x32xf32, #tpu.memory_space<hbm>> -> memref<632x32xf32, #tpu.memory_space<hbm>>
        tpu.enqueue_dma source(%dma_start3A_44 : memref<632x32xf32, #tpu.memory_space<hbm>>) target(%dma_start3A_42 : memref<632x32xf32, #tpu.memory_space<vmem_shared>>) target_semaphore(%run_scoped3A : memref<!tpu.dma_semaphore, #tpu.memory_space<semaphore_mem>>)
        %dma_wait3A_45 = arith.constant 0 : i32
        %dma_wait3A_46 = tpu.memref_slice %arg21[%mul3A_2, %dma_wait3A_45] : memref<10112x32xf32, #tpu.memory_space<vmem_shared>> -> memref<632x32xf32, #tpu.memory_space<vmem_shared>>
        %dma_wait3A_47 = arith.constant 0 : i32
        %dma_wait3A_48 = tpu.memref_slice %arg2[%mul3A_2, %dma_wait3A_47] : memref<10112x32xf32, #tpu.memory_space<hbm>> -> memref<632x32xf32, #tpu.memory_space<hbm>>
        tpu.wait_dma2 semaphore(%run_scoped3A : memref<!tpu.dma_semaphore, #tpu.memory_space<semaphore_mem>>) src(%dma_wait3A_48 : memref<632x32xf32, #tpu.memory_space<hbm>>) dst(%dma_wait3A_46 : memref<632x32xf32, #tpu.memory_space<vmem_shared>>)
        tpu.yield
      }) : () -> ()
    } else {
    }
    %ne3A = arith.constant 0 : i32
    %ne3A_5 = arith.cmpi ne, %arg0, %ne3A : i32
    %convert_element_type3A_6 = arith.extui %ne3A_5 : i1 to i32
    %cond3A_7 = arith.constant 0 : i32
    %cond3A_8 = arith.cmpi ne, %convert_element_type3A_6, %cond3A_7 : i32
    scf.if %cond3A_8 {
      "tpu.region"() ({
        %run_scoped3A = tpu.sem_alloc : memref<!tpu.dma_semaphore, #tpu.memory_space<semaphore_mem>>
        %dma_start3A = arith.constant 0 : i32
        %dma_start3A_42 = tpu.memref_slice %arg21[%mul3A_2, %dma_start3A] : memref<10112x32xf32, #tpu.memory_space<vmem_shared>> -> memref<632x32xf32, #tpu.memory_space<vmem_shared>>
        %dma_start3A_43 = arith.constant 0 : i32
        %dma_start3A_44 = tpu.memref_slice %arg5[%mul3A_2, %dma_start3A_43] : memref<10112x32xf32, #tpu.memory_space<hbm>> -> memref<632x32xf32, #tpu.memory_space<hbm>>
        tpu.enqueue_dma source(%dma_start3A_44 : memref<632x32xf32, #tpu.memory_space<hbm>>) target(%dma_start3A_42 : memref<632x32xf32, #tpu.memory_space<vmem_shared>>) target_semaphore(%run_scoped3A : memref<!tpu.dma_semaphore, #tpu.memory_space<semaphore_mem>>)
        %dma_wait3A_45 = arith.constant 0 : i32
        %dma_wait3A_46 = tpu.memref_slice %arg21[%mul3A_2, %dma_wait3A_45] : memref<10112x32xf32, #tpu.memory_space<vmem_shared>> -> memref<632x32xf32, #tpu.memory_space<vmem_shared>>
        %dma_wait3A_47 = arith.constant 0 : i32
        %dma_wait3A_48 = tpu.memref_slice %arg5[%mul3A_2, %dma_wait3A_47] : memref<10112x32xf32, #tpu.memory_space<hbm>> -> memref<632x32xf32, #tpu.memory_space<hbm>>
        tpu.wait_dma2 semaphore(%run_scoped3A : memref<!tpu.dma_semaphore, #tpu.memory_space<semaphore_mem>>) src(%dma_wait3A_48 : memref<632x32xf32, #tpu.memory_space<hbm>>) dst(%dma_wait3A_46 : memref<632x32xf32, #tpu.memory_space<vmem_shared>>)
        tpu.yield
      }) : () -> ()
    } else {
    }
    %barrier3A = arith.constant 0 : index
    tpu.barrier barrier_id(%barrier3A)
    %scan3A = arith.constant 0 : i32
    %scan3A_9 = arith.constant 0 : i32
    %scan3A_10 = arith.constant 10 : i32
    %scan3A_11 = arith.addi %scan3A_9, %scan3A_10 : i32
    %scan3A_12 = arith.constant 1 : i32
    scf.for %scan3A_42 = %scan3A_9 to %scan3A_11 step %scan3A_12  : i32 {
      %mul3A_43 = arith.constant 4 : i32
      %mul3A_44 = arith.muli %mul3A_43, %scan3A_42 : i32
      %gt3A = arith.constant 0 : i32
      %gt3A_45 = arith.cmpi sgt, %scan3A_42, %gt3A : i32
      %convert_element_type3A_46 = arith.extui %gt3A_45 : i1 to i32
      %cond3A_47 = arith.constant 0 : i32
      %cond3A_48 = arith.cmpi ne, %convert_element_type3A_46, %cond3A_47 : i32
      scf.if %cond3A_48 {
        %dma_wait3A_151 = arith.constant 0 : i32
        %dma_wait3A_152 = arith.constant 0 : i32
        %dma_wait3A_153 = tpu.memref_slice %arg8[%dma_wait3A_151, %dma_wait3A_152] : memref<40x256xi32, #tpu.memory_space<vmem>> -> memref<1x256xi32, #tpu.memory_space<vmem>>
        %dma_wait3A_154 = tpu.memref_squeeze %dma_wait3A_153 : memref<1x256xi32, #tpu.memory_space<vmem>> -> memref<256xi32, #tpu.memory_space<vmem>>
        %dma_wait3A_155 = arith.constant 0 : i32
        %dma_wait3A_156 = arith.constant 0 : i32
        %dma_wait3A_157 = tpu.memref_slice %arg21[%dma_wait3A_155, %dma_wait3A_156] : memref<10112x32xf32, #tpu.memory_space<vmem_shared>> -> memref<10112x32xf32, #tpu.memory_space<vmem_shared>>
        tpu.wait_indirect_dma semaphore(%arg17 : memref<!tpu.dma_semaphore, #tpu.memory_space<semaphore_mem>>) src(%arg9 : memref<256x32xf32, #tpu.memory_space<vmem>>) dst(%dma_wait3A_157 : memref<10112x32xf32, #tpu.memory_space<vmem_shared>>)
      } else {
      }
      %add3A_49 = arith.constant 0 : i32
      %add3A_50 = arith.addi %mul3A_44, %add3A_49 : i32
      %dma_start3A = arith.constant 0 : i32
      %dma_start3A_51 = tpu.memref_slice %arg7[%add3A_50, %dma_start3A] : memref<40x256xi32, #tpu.memory_space<vmem>> -> memref<1x256xi32, #tpu.memory_space<vmem>>
      %dma_start3A_52 = tpu.memref_squeeze %dma_start3A_51 : memref<1x256xi32, #tpu.memory_space<vmem>> -> memref<256xi32, #tpu.memory_space<vmem>>
      %dma_start3A_53 = arith.constant 0 : i32
      %dma_start3A_54 = arith.constant 0 : i32
      %dma_start3A_55 = tpu.memref_slice %arg22[%dma_start3A_53, %dma_start3A_54] : memref<10112x32xf32, #tpu.memory_space<vmem_shared>> -> memref<10112x32xf32, #tpu.memory_space<vmem_shared>>
      tpu.enqueue_indirect_dma source(%dma_start3A_55 : memref<10112x32xf32, #tpu.memory_space<vmem_shared>>) target(%arg9 : memref<256x32xf32, #tpu.memory_space<vmem>>) offsets(%dma_start3A_52 : memref<256xi32, #tpu.memory_space<vmem>>) semaphore(%arg13 : memref<!tpu.dma_semaphore, #tpu.memory_space<semaphore_mem>>)
      %gt3A_56 = arith.constant 0 : i32
      %gt3A_57 = arith.cmpi sgt, %scan3A_42, %gt3A_56 : i32
      %convert_element_type3A_58 = arith.extui %gt3A_57 : i1 to i32
      %cond3A_59 = arith.constant 0 : i32
      %cond3A_60 = arith.cmpi ne, %convert_element_type3A_58, %cond3A_59 : i32
      scf.if %cond3A_60 {
        %dma_wait3A_151 = arith.constant 0 : i32
        %dma_wait3A_152 = arith.constant 0 : i32
        %dma_wait3A_153 = tpu.memref_slice %arg8[%dma_wait3A_151, %dma_wait3A_152] : memref<40x256xi32, #tpu.memory_space<vmem>> -> memref<1x256xi32, #tpu.memory_space<vmem>>
        %dma_wait3A_154 = tpu.memref_squeeze %dma_wait3A_153 : memref<1x256xi32, #tpu.memory_space<vmem>> -> memref<256xi32, #tpu.memory_space<vmem>>
        %dma_wait3A_155 = arith.constant 0 : i32
        %dma_wait3A_156 = arith.constant 0 : i32
        %dma_wait3A_157 = tpu.memref_slice %arg21[%dma_wait3A_155, %dma_wait3A_156] : memref<10112x32xf32, #tpu.memory_space<vmem_shared>> -> memref<10112x32xf32, #tpu.memory_space<vmem_shared>>
        tpu.wait_indirect_dma semaphore(%arg18 : memref<!tpu.dma_semaphore, #tpu.memory_space<semaphore_mem>>) src(%arg10 : memref<256x32xf32, #tpu.memory_space<vmem>>) dst(%dma_wait3A_157 : memref<10112x32xf32, #tpu.memory_space<vmem_shared>>)
      } else {
      }
      %add3A_61 = arith.constant 1 : i32
      %add3A_62 = arith.addi %mul3A_44, %add3A_61 : i32
      %dma_start3A_63 = arith.constant 0 : i32
      %dma_start3A_64 = tpu.memref_slice %arg7[%add3A_62, %dma_start3A_63] : memref<40x256xi32, #tpu.memory_space<vmem>> -> memref<1x256xi32, #tpu.memory_space<vmem>>
      %dma_start3A_65 = tpu.memref_squeeze %dma_start3A_64 : memref<1x256xi32, #tpu.memory_space<vmem>> -> memref<256xi32, #tpu.memory_space<vmem>>
      %dma_start3A_66 = arith.constant 0 : i32
      %dma_start3A_67 = arith.constant 0 : i32
      %dma_start3A_68 = tpu.memref_slice %arg22[%dma_start3A_66, %dma_start3A_67] : memref<10112x32xf32, #tpu.memory_space<vmem_shared>> -> memref<10112x32xf32, #tpu.memory_space<vmem_shared>>
      tpu.enqueue_indirect_dma source(%dma_start3A_68 : memref<10112x32xf32, #tpu.memory_space<vmem_shared>>) target(%arg10 : memref<256x32xf32, #tpu.memory_space<vmem>>) offsets(%dma_start3A_65 : memref<256xi32, #tpu.memory_space<vmem>>) semaphore(%arg14 : memref<!tpu.dma_semaphore, #tpu.memory_space<semaphore_mem>>)
      %gt3A_69 = arith.constant 0 : i32
      %gt3A_70 = arith.cmpi sgt, %scan3A_42, %gt3A_69 : i32
      %convert_element_type3A_71 = arith.extui %gt3A_70 : i1 to i32
      %cond3A_72 = arith.constant 0 : i32
      %cond3A_73 = arith.cmpi ne, %convert_element_type3A_71, %cond3A_72 : i32
      scf.if %cond3A_73 {
        %dma_wait3A_151 = arith.constant 0 : i32
        %dma_wait3A_152 = arith.constant 0 : i32
        %dma_wait3A_153 = tpu.memref_slice %arg8[%dma_wait3A_151, %dma_wait3A_152] : memref<40x256xi32, #tpu.memory_space<vmem>> -> memref<1x256xi32, #tpu.memory_space<vmem>>
        %dma_wait3A_154 = tpu.memref_squeeze %dma_wait3A_153 : memref<1x256xi32, #tpu.memory_space<vmem>> -> memref<256xi32, #tpu.memory_space<vmem>>
        %dma_wait3A_155 = arith.constant 0 : i32
        %dma_wait3A_156 = arith.constant 0 : i32
        %dma_wait3A_157 = tpu.memref_slice %arg21[%dma_wait3A_155, %dma_wait3A_156] : memref<10112x32xf32, #tpu.memory_space<vmem_shared>> -> memref<10112x32xf32, #tpu.memory_space<vmem_shared>>
        tpu.wait_indirect_dma semaphore(%arg19 : memref<!tpu.dma_semaphore, #tpu.memory_space<semaphore_mem>>) src(%arg11 : memref<256x32xf32, #tpu.memory_space<vmem>>) dst(%dma_wait3A_157 : memref<10112x32xf32, #tpu.memory_space<vmem_shared>>)
      } else {
      }
      %add3A_74 = arith.constant 2 : i32
      %add3A_75 = arith.addi %mul3A_44, %add3A_74 : i32
      %dma_start3A_76 = arith.constant 0 : i32
      %dma_start3A_77 = tpu.memref_slice %arg7[%add3A_75, %dma_start3A_76] : memref<40x256xi32, #tpu.memory_space<vmem>> -> memref<1x256xi32, #tpu.memory_space<vmem>>
      %dma_start3A_78 = tpu.memref_squeeze %dma_start3A_77 : memref<1x256xi32, #tpu.memory_space<vmem>> -> memref<256xi32, #tpu.memory_space<vmem>>
      %dma_start3A_79 = arith.constant 0 : i32
      %dma_start3A_80 = arith.constant 0 : i32
      %dma_start3A_81 = tpu.memref_slice %arg22[%dma_start3A_79, %dma_start3A_80] : memref<10112x32xf32, #tpu.memory_space<vmem_shared>> -> memref<10112x32xf32, #tpu.memory_space<vmem_shared>>
      tpu.enqueue_indirect_dma source(%dma_start3A_81 : memref<10112x32xf32, #tpu.memory_space<vmem_shared>>) target(%arg11 : memref<256x32xf32, #tpu.memory_space<vmem>>) offsets(%dma_start3A_78 : memref<256xi32, #tpu.memory_space<vmem>>) semaphore(%arg15 : memref<!tpu.dma_semaphore, #tpu.memory_space<semaphore_mem>>)
      %gt3A_82 = arith.constant 0 : i32
      %gt3A_83 = arith.cmpi sgt, %scan3A_42, %gt3A_82 : i32
      %convert_element_type3A_84 = arith.extui %gt3A_83 : i1 to i32
      %cond3A_85 = arith.constant 0 : i32
      %cond3A_86 = arith.cmpi ne, %convert_element_type3A_84, %cond3A_85 : i32
      scf.if %cond3A_86 {
        %dma_wait3A_151 = arith.constant 0 : i32
        %dma_wait3A_152 = arith.constant 0 : i32
        %dma_wait3A_153 = tpu.memref_slice %arg8[%dma_wait3A_151, %dma_wait3A_152] : memref<40x256xi32, #tpu.memory_space<vmem>> -> memref<1x256xi32, #tpu.memory_space<vmem>>
        %dma_wait3A_154 = tpu.memref_squeeze %dma_wait3A_153 : memref<1x256xi32, #tpu.memory_space<vmem>> -> memref<256xi32, #tpu.memory_space<vmem>>
        %dma_wait3A_155 = arith.constant 0 : i32
        %dma_wait3A_156 = arith.constant 0 : i32
        %dma_wait3A_157 = tpu.memref_slice %arg21[%dma_wait3A_155, %dma_wait3A_156] : memref<10112x32xf32, #tpu.memory_space<vmem_shared>> -> memref<10112x32xf32, #tpu.memory_space<vmem_shared>>
        tpu.wait_indirect_dma semaphore(%arg20 : memref<!tpu.dma_semaphore, #tpu.memory_space<semaphore_mem>>) src(%arg12 : memref<256x32xf32, #tpu.memory_space<vmem>>) dst(%dma_wait3A_157 : memref<10112x32xf32, #tpu.memory_space<vmem_shared>>)
      } else {
      }
      %add3A_87 = arith.constant 3 : i32
      %add3A_88 = arith.addi %mul3A_44, %add3A_87 : i32
      %dma_start3A_89 = arith.constant 0 : i32
      %dma_start3A_90 = tpu.memref_slice %arg7[%add3A_88, %dma_start3A_89] : memref<40x256xi32, #tpu.memory_space<vmem>> -> memref<1x256xi32, #tpu.memory_space<vmem>>
      %dma_start3A_91 = tpu.memref_squeeze %dma_start3A_90 : memref<1x256xi32, #tpu.memory_space<vmem>> -> memref<256xi32, #tpu.memory_space<vmem>>
      %dma_start3A_92 = arith.constant 0 : i32
      %dma_start3A_93 = arith.constant 0 : i32
      %dma_start3A_94 = tpu.memref_slice %arg22[%dma_start3A_92, %dma_start3A_93] : memref<10112x32xf32, #tpu.memory_space<vmem_shared>> -> memref<10112x32xf32, #tpu.memory_space<vmem_shared>>
      tpu.enqueue_indirect_dma source(%dma_start3A_94 : memref<10112x32xf32, #tpu.memory_space<vmem_shared>>) target(%arg12 : memref<256x32xf32, #tpu.memory_space<vmem>>) offsets(%dma_start3A_91 : memref<256xi32, #tpu.memory_space<vmem>>) semaphore(%arg16 : memref<!tpu.dma_semaphore, #tpu.memory_space<semaphore_mem>>)
      %dma_wait3A_95 = arith.constant 0 : i32
      %dma_wait3A_96 = arith.constant 0 : i32
      %dma_wait3A_97 = tpu.memref_slice %arg2[%dma_wait3A_95, %dma_wait3A_96] : memref<10112x32xf32, #tpu.memory_space<hbm>> -> memref<256x32xf32, #tpu.memory_space<hbm>>
      %dma_wait3A_98 = arith.constant 0 : i32
      %dma_wait3A_99 = arith.constant 0 : i32
      %dma_wait3A_100 = tpu.memref_slice %arg2[%dma_wait3A_98, %dma_wait3A_99] : memref<10112x32xf32, #tpu.memory_space<hbm>> -> memref<256x32xf32, #tpu.memory_space<hbm>>
      tpu.wait_dma2 semaphore(%arg13 : memref<!tpu.dma_semaphore, #tpu.memory_space<semaphore_mem>>) src(%dma_wait3A_100 : memref<256x32xf32, #tpu.memory_space<hbm>>) dst(%arg9 : memref<256x32xf32, #tpu.memory_space<vmem>>)
      %add3A_101 = arith.constant 0 : i32
      %add3A_102 = arith.addi %mul3A_44, %add3A_101 : i32
      %dma_start3A_103 = arith.constant 0 : i32
      %dma_start3A_104 = tpu.memref_slice %arg8[%add3A_102, %dma_start3A_103] : memref<40x256xi32, #tpu.memory_space<vmem>> -> memref<1x256xi32, #tpu.memory_space<vmem>>
      %dma_start3A_105 = tpu.memref_squeeze %dma_start3A_104 : memref<1x256xi32, #tpu.memory_space<vmem>> -> memref<256xi32, #tpu.memory_space<vmem>>
      %dma_start3A_106 = arith.constant 0 : i32
      %dma_start3A_107 = arith.constant 0 : i32
      %dma_start3A_108 = tpu.memref_slice %arg21[%dma_start3A_106, %dma_start3A_107] : memref<10112x32xf32, #tpu.memory_space<vmem_shared>> -> memref<10112x32xf32, #tpu.memory_space<vmem_shared>>
      tpu.enqueue_indirect_dma source(%arg9 : memref<256x32xf32, #tpu.memory_space<vmem>>) target(%dma_start3A_108 : memref<10112x32xf32, #tpu.memory_space<vmem_shared>>) offsets(%dma_start3A_105 : memref<256xi32, #tpu.memory_space<vmem>>) semaphore(%arg17 : memref<!tpu.dma_semaphore, #tpu.memory_space<semaphore_mem>>) {add = true}
      %dma_wait3A_109 = arith.constant 0 : i32
      %dma_wait3A_110 = arith.constant 0 : i32
      %dma_wait3A_111 = tpu.memref_slice %arg2[%dma_wait3A_109, %dma_wait3A_110] : memref<10112x32xf32, #tpu.memory_space<hbm>> -> memref<256x32xf32, #tpu.memory_space<hbm>>
      %dma_wait3A_112 = arith.constant 0 : i32
      %dma_wait3A_113 = arith.constant 0 : i32
      %dma_wait3A_114 = tpu.memref_slice %arg2[%dma_wait3A_112, %dma_wait3A_113] : memref<10112x32xf32, #tpu.memory_space<hbm>> -> memref<256x32xf32, #tpu.memory_space<hbm>>
      tpu.wait_dma2 semaphore(%arg14 : memref<!tpu.dma_semaphore, #tpu.memory_space<semaphore_mem>>) src(%dma_wait3A_114 : memref<256x32xf32, #tpu.memory_space<hbm>>) dst(%arg10 : memref<256x32xf32, #tpu.memory_space<vmem>>)
      %add3A_115 = arith.constant 1 : i32
      %add3A_116 = arith.addi %mul3A_44, %add3A_115 : i32
      %dma_start3A_117 = arith.constant 0 : i32
      %dma_start3A_118 = tpu.memref_slice %arg8[%add3A_116, %dma_start3A_117] : memref<40x256xi32, #tpu.memory_space<vmem>> -> memref<1x256xi32, #tpu.memory_space<vmem>>
      %dma_start3A_119 = tpu.memref_squeeze %dma_start3A_118 : memref<1x256xi32, #tpu.memory_space<vmem>> -> memref<256xi32, #tpu.memory_space<vmem>>
      %dma_start3A_120 = arith.constant 0 : i32
      %dma_start3A_121 = arith.constant 0 : i32
      %dma_start3A_122 = tpu.memref_slice %arg21[%dma_start3A_120, %dma_start3A_121] : memref<10112x32xf32, #tpu.memory_space<vmem_shared>> -> memref<10112x32xf32, #tpu.memory_space<vmem_shared>>
      tpu.enqueue_indirect_dma source(%arg10 : memref<256x32xf32, #tpu.memory_space<vmem>>) target(%dma_start3A_122 : memref<10112x32xf32, #tpu.memory_space<vmem_shared>>) offsets(%dma_start3A_119 : memref<256xi32, #tpu.memory_space<vmem>>) semaphore(%arg18 : memref<!tpu.dma_semaphore, #tpu.memory_space<semaphore_mem>>) {add = true}
      %dma_wait3A_123 = arith.constant 0 : i32
      %dma_wait3A_124 = arith.constant 0 : i32
      %dma_wait3A_125 = tpu.memref_slice %arg2[%dma_wait3A_123, %dma_wait3A_124] : memref<10112x32xf32, #tpu.memory_space<hbm>> -> memref<256x32xf32, #tpu.memory_space<hbm>>
      %dma_wait3A_126 = arith.constant 0 : i32
      %dma_wait3A_127 = arith.constant 0 : i32
      %dma_wait3A_128 = tpu.memref_slice %arg2[%dma_wait3A_126, %dma_wait3A_127] : memref<10112x32xf32, #tpu.memory_space<hbm>> -> memref<256x32xf32, #tpu.memory_space<hbm>>
      tpu.wait_dma2 semaphore(%arg15 : memref<!tpu.dma_semaphore, #tpu.memory_space<semaphore_mem>>) src(%dma_wait3A_128 : memref<256x32xf32, #tpu.memory_space<hbm>>) dst(%arg11 : memref<256x32xf32, #tpu.memory_space<vmem>>)
      %add3A_129 = arith.constant 2 : i32
      %add3A_130 = arith.addi %mul3A_44, %add3A_129 : i32
      %dma_start3A_131 = arith.constant 0 : i32
      %dma_start3A_132 = tpu.memref_slice %arg8[%add3A_130, %dma_start3A_131] : memref<40x256xi32, #tpu.memory_space<vmem>> -> memref<1x256xi32, #tpu.memory_space<vmem>>
      %dma_start3A_133 = tpu.memref_squeeze %dma_start3A_132 : memref<1x256xi32, #tpu.memory_space<vmem>> -> memref<256xi32, #tpu.memory_space<vmem>>
      %dma_start3A_134 = arith.constant 0 : i32
      %dma_start3A_135 = arith.constant 0 : i32
      %dma_start3A_136 = tpu.memref_slice %arg21[%dma_start3A_134, %dma_start3A_135] : memref<10112x32xf32, #tpu.memory_space<vmem_shared>> -> memref<10112x32xf32, #tpu.memory_space<vmem_shared>>
      tpu.enqueue_indirect_dma source(%arg11 : memref<256x32xf32, #tpu.memory_space<vmem>>) target(%dma_start3A_136 : memref<10112x32xf32, #tpu.memory_space<vmem_shared>>) offsets(%dma_start3A_133 : memref<256xi32, #tpu.memory_space<vmem>>) semaphore(%arg19 : memref<!tpu.dma_semaphore, #tpu.memory_space<semaphore_mem>>) {add = true}
      %dma_wait3A_137 = arith.constant 0 : i32
      %dma_wait3A_138 = arith.constant 0 : i32
      %dma_wait3A_139 = tpu.memref_slice %arg2[%dma_wait3A_137, %dma_wait3A_138] : memref<10112x32xf32, #tpu.memory_space<hbm>> -> memref<256x32xf32, #tpu.memory_space<hbm>>
      %dma_wait3A_140 = arith.constant 0 : i32
      %dma_wait3A_141 = arith.constant 0 : i32
      %dma_wait3A_142 = tpu.memref_slice %arg2[%dma_wait3A_140, %dma_wait3A_141] : memref<10112x32xf32, #tpu.memory_space<hbm>> -> memref<256x32xf32, #tpu.memory_space<hbm>>
      tpu.wait_dma2 semaphore(%arg16 : memref<!tpu.dma_semaphore, #tpu.memory_space<semaphore_mem>>) src(%dma_wait3A_142 : memref<256x32xf32, #tpu.memory_space<hbm>>) dst(%arg12 : memref<256x32xf32, #tpu.memory_space<vmem>>)
      %add3A_143 = arith.constant 3 : i32
      %add3A_144 = arith.addi %mul3A_44, %add3A_143 : i32
      %dma_start3A_145 = arith.constant 0 : i32
      %dma_start3A_146 = tpu.memref_slice %arg8[%add3A_144, %dma_start3A_145] : memref<40x256xi32, #tpu.memory_space<vmem>> -> memref<1x256xi32, #tpu.memory_space<vmem>>
      %dma_start3A_147 = tpu.memref_squeeze %dma_start3A_146 : memref<1x256xi32, #tpu.memory_space<vmem>> -> memref<256xi32, #tpu.memory_space<vmem>>
      %dma_start3A_148 = arith.constant 0 : i32
      %dma_start3A_149 = arith.constant 0 : i32
      %dma_start3A_150 = tpu.memref_slice %arg21[%dma_start3A_148, %dma_start3A_149] : memref<10112x32xf32, #tpu.memory_space<vmem_shared>> -> memref<10112x32xf32, #tpu.memory_space<vmem_shared>>
      tpu.enqueue_indirect_dma source(%arg12 : memref<256x32xf32, #tpu.memory_space<vmem>>) target(%dma_start3A_150 : memref<10112x32xf32, #tpu.memory_space<vmem_shared>>) offsets(%dma_start3A_147 : memref<256xi32, #tpu.memory_space<vmem>>) semaphore(%arg20 : memref<!tpu.dma_semaphore, #tpu.memory_space<semaphore_mem>>) {add = true}
    }
    %scan3A_13 = arith.constant 10 : i32
    %dma_wait3A = arith.constant 0 : i32
    %dma_wait3A_14 = arith.constant 0 : i32
    %dma_wait3A_15 = tpu.memref_slice %arg8[%dma_wait3A, %dma_wait3A_14] : memref<40x256xi32, #tpu.memory_space<vmem>> -> memref<1x256xi32, #tpu.memory_space<vmem>>
    %dma_wait3A_16 = tpu.memref_squeeze %dma_wait3A_15 : memref<1x256xi32, #tpu.memory_space<vmem>> -> memref<256xi32, #tpu.memory_space<vmem>>
    %dma_wait3A_17 = arith.constant 0 : i32
    %dma_wait3A_18 = arith.constant 0 : i32
    %dma_wait3A_19 = tpu.memref_slice %arg21[%dma_wait3A_17, %dma_wait3A_18] : memref<10112x32xf32, #tpu.memory_space<vmem_shared>> -> memref<10112x32xf32, #tpu.memory_space<vmem_shared>>
    tpu.wait_indirect_dma semaphore(%arg17 : memref<!tpu.dma_semaphore, #tpu.memory_space<semaphore_mem>>) src(%arg9 : memref<256x32xf32, #tpu.memory_space<vmem>>) dst(%dma_wait3A_19 : memref<10112x32xf32, #tpu.memory_space<vmem_shared>>)
    %dma_wait3A_20 = arith.constant 0 : i32
    %dma_wait3A_21 = arith.constant 0 : i32
    %dma_wait3A_22 = tpu.memref_slice %arg8[%dma_wait3A_20, %dma_wait3A_21] : memref<40x256xi32, #tpu.memory_space<vmem>> -> memref<1x256xi32, #tpu.memory_space<vmem>>
    %dma_wait3A_23 = tpu.memref_squeeze %dma_wait3A_22 : memref<1x256xi32, #tpu.memory_space<vmem>> -> memref<256xi32, #tpu.memory_space<vmem>>
    %dma_wait3A_24 = arith.constant 0 : i32
    %dma_wait3A_25 = arith.constant 0 : i32
    %dma_wait3A_26 = tpu.memref_slice %arg21[%dma_wait3A_24, %dma_wait3A_25] : memref<10112x32xf32, #tpu.memory_space<vmem_shared>> -> memref<10112x32xf32, #tpu.memory_space<vmem_shared>>
    tpu.wait_indirect_dma semaphore(%arg18 : memref<!tpu.dma_semaphore, #tpu.memory_space<semaphore_mem>>) src(%arg10 : memref<256x32xf32, #tpu.memory_space<vmem>>) dst(%dma_wait3A_26 : memref<10112x32xf32, #tpu.memory_space<vmem_shared>>)
    %dma_wait3A_27 = arith.constant 0 : i32
    %dma_wait3A_28 = arith.constant 0 : i32
    %dma_wait3A_29 = tpu.memref_slice %arg8[%dma_wait3A_27, %dma_wait3A_28] : memref<40x256xi32, #tpu.memory_space<vmem>> -> memref<1x256xi32, #tpu.memory_space<vmem>>
    %dma_wait3A_30 = tpu.memref_squeeze %dma_wait3A_29 : memref<1x256xi32, #tpu.memory_space<vmem>> -> memref<256xi32, #tpu.memory_space<vmem>>
    %dma_wait3A_31 = arith.constant 0 : i32
    %dma_wait3A_32 = arith.constant 0 : i32
    %dma_wait3A_33 = tpu.memref_slice %arg21[%dma_wait3A_31, %dma_wait3A_32] : memref<10112x32xf32, #tpu.memory_space<vmem_shared>> -> memref<10112x32xf32, #tpu.memory_space<vmem_shared>>
    tpu.wait_indirect_dma semaphore(%arg19 : memref<!tpu.dma_semaphore, #tpu.memory_space<semaphore_mem>>) src(%arg11 : memref<256x32xf32, #tpu.memory_space<vmem>>) dst(%dma_wait3A_33 : memref<10112x32xf32, #tpu.memory_space<vmem_shared>>)
    %dma_wait3A_34 = arith.constant 0 : i32
    %dma_wait3A_35 = arith.constant 0 : i32
    %dma_wait3A_36 = tpu.memref_slice %arg8[%dma_wait3A_34, %dma_wait3A_35] : memref<40x256xi32, #tpu.memory_space<vmem>> -> memref<1x256xi32, #tpu.memory_space<vmem>>
    %dma_wait3A_37 = tpu.memref_squeeze %dma_wait3A_36 : memref<1x256xi32, #tpu.memory_space<vmem>> -> memref<256xi32, #tpu.memory_space<vmem>>
    %dma_wait3A_38 = arith.constant 0 : i32
    %dma_wait3A_39 = arith.constant 0 : i32
    %dma_wait3A_40 = tpu.memref_slice %arg21[%dma_wait3A_38, %dma_wait3A_39] : memref<10112x32xf32, #tpu.memory_space<vmem_shared>> -> memref<10112x32xf32, #tpu.memory_space<vmem_shared>>
    tpu.wait_indirect_dma semaphore(%arg20 : memref<!tpu.dma_semaphore, #tpu.memory_space<semaphore_mem>>) src(%arg12 : memref<256x32xf32, #tpu.memory_space<vmem>>) dst(%dma_wait3A_40 : memref<10112x32xf32, #tpu.memory_space<vmem_shared>>)
    %barrier3A_41 = arith.constant 0 : index
    tpu.barrier barrier_id(%barrier3A_41)
    "tpu.region"() ({
      %run_scoped3A = tpu.sem_alloc : memref<!tpu.dma_semaphore, #tpu.memory_space<semaphore_mem>>
      %dma_start3A = arith.constant 0 : i32
      %dma_start3A_42 = tpu.memref_slice %arg6[%arg0, %mul3A_2, %dma_start3A] : memref<2x10112x32xf32, #tpu.memory_space<hbm>> -> memref<1x632x32xf32, #tpu.memory_space<hbm>>
      %dma_start3A_43 = tpu.memref_squeeze %dma_start3A_42 : memref<1x632x32xf32, #tpu.memory_space<hbm>> -> memref<632x32xf32, #tpu.memory_space<hbm>>
      %dma_start3A_44 = arith.constant 0 : i32
      %dma_start3A_45 = tpu.memref_slice %arg21[%mul3A_2, %dma_start3A_44] : memref<10112x32xf32, #tpu.memory_space<vmem_shared>> -> memref<632x32xf32, #tpu.memory_space<vmem_shared>>
      tpu.enqueue_dma source(%dma_start3A_45 : memref<632x32xf32, #tpu.memory_space<vmem_shared>>) target(%dma_start3A_43 : memref<632x32xf32, #tpu.memory_space<hbm>>) target_semaphore(%run_scoped3A : memref<!tpu.dma_semaphore, #tpu.memory_space<semaphore_mem>>)
      %dma_wait3A_46 = arith.constant 0 : i32
      %dma_wait3A_47 = tpu.memref_slice %arg6[%arg0, %mul3A_2, %dma_wait3A_46] : memref<2x10112x32xf32, #tpu.memory_space<hbm>> -> memref<1x632x32xf32, #tpu.memory_space<hbm>>
      %dma_wait3A_48 = tpu.memref_squeeze %dma_wait3A_47 : memref<1x632x32xf32, #tpu.memory_space<hbm>> -> memref<632x32xf32, #tpu.memory_space<hbm>>
      %dma_wait3A_49 = arith.constant 0 : i32
      %dma_wait3A_50 = tpu.memref_slice %arg21[%mul3A_2, %dma_wait3A_49] : memref<10112x32xf32, #tpu.memory_space<vmem_shared>> -> memref<632x32xf32, #tpu.memory_space<vmem_shared>>
      tpu.wait_dma2 semaphore(%run_scoped3A : memref<!tpu.dma_semaphore, #tpu.memory_space<semaphore_mem>>) src(%dma_wait3A_50 : memref<632x32xf32, #tpu.memory_space<vmem_shared>>) dst(%dma_wait3A_48 : memref<632x32xf32, #tpu.memory_space<hbm>>)
      tpu.yield
    }) : () -> ()
    return
  }
}

#map = affine_map<(d0, d1) -> (0, 0)>
#map1 = affine_map<(d0, d1) -> (0, 0, 0)>
module attributes {stable_mosaic.version = 14 : i64} {
  func.func @agg_kernel(%arg0: i32, %arg1: i32, %arg2: memref<10112x32xf32, #tpu.memory_space<hbm>>, %arg3: memref<10112x32xf32, #tpu.memory_space<hbm>>, %arg4: memref<16x80x256xi32, #tpu.memory_space<hbm>>, %arg5: memref<16x80x256xi32, #tpu.memory_space<hbm>>, %arg6: memref<2x10112x32xf32, #tpu.memory_space<hbm>>, %arg7: memref<80x256xi32, #tpu.memory_space<vmem>>, %arg8: memref<80x256xi32, #tpu.memory_space<vmem>>, %arg9: memref<256x32xf32, #tpu.memory_space<vmem>>, %arg10: memref<256x32xf32, #tpu.memory_space<vmem>>, %arg11: memref<256x32xf32, #tpu.memory_space<vmem>>, %arg12: memref<256x32xf32, #tpu.memory_space<vmem>>, %arg13: memref<!tpu.dma_semaphore, #tpu.memory_space<semaphore_mem>>, %arg14: memref<!tpu.dma_semaphore, #tpu.memory_space<semaphore_mem>>, %arg15: memref<!tpu.dma_semaphore, #tpu.memory_space<semaphore_mem>>, %arg16: memref<!tpu.dma_semaphore, #tpu.memory_space<semaphore_mem>>, %arg17: memref<!tpu.dma_semaphore, #tpu.memory_space<semaphore_mem>>, %arg18: memref<!tpu.dma_semaphore, #tpu.memory_space<semaphore_mem>>, %arg19: memref<!tpu.dma_semaphore, #tpu.memory_space<semaphore_mem>>, %arg20: memref<!tpu.dma_semaphore, #tpu.memory_space<semaphore_mem>>, %arg21: memref<10112x32xf32, #tpu.memory_space<vmem_shared>>, %arg22: memref<10112x32xf32, #tpu.memory_space<vmem_shared>>) attributes {dimension_semantics = [#tpu.dimension_semantics<core_parallel>, #tpu.dimension_semantics<subcore_parallel>], iteration_bounds = array<i64: 2, 16>, scalar_prefetch = 0 : i64, scratch_operands = 16 : i64, tpu.core_type = #tpu.core_type<sc_vector_subcore>, window_params = [{transform_indices = #map}, {transform_indices = #map}, {transform_indices = #map1}, {transform_indices = #map1}, {transform_indices = #map1}]} {
    "tpu.region"() ({
      %run_scoped3A = tpu.sem_alloc : memref<!tpu.dma_semaphore, #tpu.memory_space<semaphore_mem>>
      %dma_start3A = arith.constant 0 : i32
      %dma_start3A_40 = arith.constant 0 : i32
      %dma_start3A_41 = tpu.memref_slice %arg4[%arg1, %dma_start3A, %dma_start3A_40] : memref<16x80x256xi32, #tpu.memory_space<hbm>> -> memref<1x80x256xi32, #tpu.memory_space<hbm>>
      %dma_start3A_42 = tpu.memref_squeeze %dma_start3A_41 : memref<1x80x256xi32, #tpu.memory_space<hbm>> -> memref<80x256xi32, #tpu.memory_space<hbm>>
      %dma_start3A_43 = arith.constant 0 : i32
      %dma_start3A_44 = arith.constant 0 : i32
      %dma_start3A_45 = tpu.memref_slice %arg4[%arg1, %dma_start3A_43, %dma_start3A_44] : memref<16x80x256xi32, #tpu.memory_space<hbm>> -> memref<1x80x256xi32, #tpu.memory_space<hbm>>
      %dma_start3A_46 = tpu.memref_squeeze %dma_start3A_45 : memref<1x80x256xi32, #tpu.memory_space<hbm>> -> memref<80x256xi32, #tpu.memory_space<hbm>>
      tpu.enqueue_dma source(%dma_start3A_46 : memref<80x256xi32, #tpu.memory_space<hbm>>) target(%arg7 : memref<80x256xi32, #tpu.memory_space<vmem>>) target_semaphore(%run_scoped3A : memref<!tpu.dma_semaphore, #tpu.memory_space<semaphore_mem>>)
      %dma_wait3A_47 = arith.constant 0 : i32
      %dma_wait3A_48 = arith.constant 0 : i32
      %dma_wait3A_49 = tpu.memref_slice %arg4[%arg1, %dma_wait3A_47, %dma_wait3A_48] : memref<16x80x256xi32, #tpu.memory_space<hbm>> -> memref<1x80x256xi32, #tpu.memory_space<hbm>>
      %dma_wait3A_50 = tpu.memref_squeeze %dma_wait3A_49 : memref<1x80x256xi32, #tpu.memory_space<hbm>> -> memref<80x256xi32, #tpu.memory_space<hbm>>
      %dma_wait3A_51 = arith.constant 0 : i32
      %dma_wait3A_52 = arith.constant 0 : i32
      %dma_wait3A_53 = tpu.memref_slice %arg4[%arg1, %dma_wait3A_51, %dma_wait3A_52] : memref<16x80x256xi32, #tpu.memory_space<hbm>> -> memref<1x80x256xi32, #tpu.memory_space<hbm>>
      %dma_wait3A_54 = tpu.memref_squeeze %dma_wait3A_53 : memref<1x80x256xi32, #tpu.memory_space<hbm>> -> memref<80x256xi32, #tpu.memory_space<hbm>>
      tpu.wait_dma2 semaphore(%run_scoped3A : memref<!tpu.dma_semaphore, #tpu.memory_space<semaphore_mem>>) src(%dma_wait3A_54 : memref<80x256xi32, #tpu.memory_space<hbm>>) dst(%arg7 : memref<80x256xi32, #tpu.memory_space<vmem>>)
      tpu.yield
    }) : () -> ()
    "tpu.region"() ({
      %run_scoped3A = tpu.sem_alloc : memref<!tpu.dma_semaphore, #tpu.memory_space<semaphore_mem>>
      %dma_start3A = arith.constant 0 : i32
      %dma_start3A_40 = arith.constant 0 : i32
      %dma_start3A_41 = tpu.memref_slice %arg5[%arg1, %dma_start3A, %dma_start3A_40] : memref<16x80x256xi32, #tpu.memory_space<hbm>> -> memref<1x80x256xi32, #tpu.memory_space<hbm>>
      %dma_start3A_42 = tpu.memref_squeeze %dma_start3A_41 : memref<1x80x256xi32, #tpu.memory_space<hbm>> -> memref<80x256xi32, #tpu.memory_space<hbm>>
      %dma_start3A_43 = arith.constant 0 : i32
      %dma_start3A_44 = arith.constant 0 : i32
      %dma_start3A_45 = tpu.memref_slice %arg5[%arg1, %dma_start3A_43, %dma_start3A_44] : memref<16x80x256xi32, #tpu.memory_space<hbm>> -> memref<1x80x256xi32, #tpu.memory_space<hbm>>
      %dma_start3A_46 = tpu.memref_squeeze %dma_start3A_45 : memref<1x80x256xi32, #tpu.memory_space<hbm>> -> memref<80x256xi32, #tpu.memory_space<hbm>>
      tpu.enqueue_dma source(%dma_start3A_46 : memref<80x256xi32, #tpu.memory_space<hbm>>) target(%arg8 : memref<80x256xi32, #tpu.memory_space<vmem>>) target_semaphore(%run_scoped3A : memref<!tpu.dma_semaphore, #tpu.memory_space<semaphore_mem>>)
      %dma_wait3A_47 = arith.constant 0 : i32
      %dma_wait3A_48 = arith.constant 0 : i32
      %dma_wait3A_49 = tpu.memref_slice %arg5[%arg1, %dma_wait3A_47, %dma_wait3A_48] : memref<16x80x256xi32, #tpu.memory_space<hbm>> -> memref<1x80x256xi32, #tpu.memory_space<hbm>>
      %dma_wait3A_50 = tpu.memref_squeeze %dma_wait3A_49 : memref<1x80x256xi32, #tpu.memory_space<hbm>> -> memref<80x256xi32, #tpu.memory_space<hbm>>
      %dma_wait3A_51 = arith.constant 0 : i32
      %dma_wait3A_52 = arith.constant 0 : i32
      %dma_wait3A_53 = tpu.memref_slice %arg5[%arg1, %dma_wait3A_51, %dma_wait3A_52] : memref<16x80x256xi32, #tpu.memory_space<hbm>> -> memref<1x80x256xi32, #tpu.memory_space<hbm>>
      %dma_wait3A_54 = tpu.memref_squeeze %dma_wait3A_53 : memref<1x80x256xi32, #tpu.memory_space<hbm>> -> memref<80x256xi32, #tpu.memory_space<hbm>>
      tpu.wait_dma2 semaphore(%run_scoped3A : memref<!tpu.dma_semaphore, #tpu.memory_space<semaphore_mem>>) src(%dma_wait3A_54 : memref<80x256xi32, #tpu.memory_space<hbm>>) dst(%arg8 : memref<80x256xi32, #tpu.memory_space<vmem>>)
      tpu.yield
    }) : () -> ()
    %mul3A = arith.constant 632 : i32
    %mul3A_0 = arith.muli %arg1, %mul3A : i32
    %eq3A = arith.constant 0 : i32
    %eq3A_1 = arith.cmpi eq, %arg0, %eq3A : i32
    %convert_element_type3A = arith.extui %eq3A_1 : i1 to i32
    %cond3A = arith.constant 0 : i32
    %cond3A_2 = arith.cmpi ne, %convert_element_type3A, %cond3A : i32
    scf.if %cond3A_2 {
      "tpu.region"() ({
        %run_scoped3A = tpu.sem_alloc : memref<!tpu.dma_semaphore, #tpu.memory_space<semaphore_mem>>
        %dma_start3A = arith.constant 0 : i32
        %dma_start3A_40 = tpu.memref_slice %arg22[%mul3A_0, %dma_start3A] : memref<10112x32xf32, #tpu.memory_space<vmem_shared>> -> memref<632x32xf32, #tpu.memory_space<vmem_shared>>
        %dma_start3A_41 = arith.constant 0 : i32
        %dma_start3A_42 = tpu.memref_slice %arg2[%mul3A_0, %dma_start3A_41] : memref<10112x32xf32, #tpu.memory_space<hbm>> -> memref<632x32xf32, #tpu.memory_space<hbm>>
        tpu.enqueue_dma source(%dma_start3A_42 : memref<632x32xf32, #tpu.memory_space<hbm>>) target(%dma_start3A_40 : memref<632x32xf32, #tpu.memory_space<vmem_shared>>) target_semaphore(%run_scoped3A : memref<!tpu.dma_semaphore, #tpu.memory_space<semaphore_mem>>)
        %dma_wait3A_43 = arith.constant 0 : i32
        %dma_wait3A_44 = tpu.memref_slice %arg22[%mul3A_0, %dma_wait3A_43] : memref<10112x32xf32, #tpu.memory_space<vmem_shared>> -> memref<632x32xf32, #tpu.memory_space<vmem_shared>>
        %dma_wait3A_45 = arith.constant 0 : i32
        %dma_wait3A_46 = tpu.memref_slice %arg2[%mul3A_0, %dma_wait3A_45] : memref<10112x32xf32, #tpu.memory_space<hbm>> -> memref<632x32xf32, #tpu.memory_space<hbm>>
        tpu.wait_dma2 semaphore(%run_scoped3A : memref<!tpu.dma_semaphore, #tpu.memory_space<semaphore_mem>>) src(%dma_wait3A_46 : memref<632x32xf32, #tpu.memory_space<hbm>>) dst(%dma_wait3A_44 : memref<632x32xf32, #tpu.memory_space<vmem_shared>>)
        tpu.yield
      }) : () -> ()
      "tpu.region"() ({
        %run_scoped3A = tpu.sem_alloc : memref<!tpu.dma_semaphore, #tpu.memory_space<semaphore_mem>>
        %dma_start3A = arith.constant 0 : i32
        %dma_start3A_40 = tpu.memref_slice %arg21[%mul3A_0, %dma_start3A] : memref<10112x32xf32, #tpu.memory_space<vmem_shared>> -> memref<632x32xf32, #tpu.memory_space<vmem_shared>>
        %dma_start3A_41 = arith.constant 0 : i32
        %dma_start3A_42 = tpu.memref_slice %arg2[%mul3A_0, %dma_start3A_41] : memref<10112x32xf32, #tpu.memory_space<hbm>> -> memref<632x32xf32, #tpu.memory_space<hbm>>
        tpu.enqueue_dma source(%dma_start3A_42 : memref<632x32xf32, #tpu.memory_space<hbm>>) target(%dma_start3A_40 : memref<632x32xf32, #tpu.memory_space<vmem_shared>>) target_semaphore(%run_scoped3A : memref<!tpu.dma_semaphore, #tpu.memory_space<semaphore_mem>>)
        %dma_wait3A_43 = arith.constant 0 : i32
        %dma_wait3A_44 = tpu.memref_slice %arg21[%mul3A_0, %dma_wait3A_43] : memref<10112x32xf32, #tpu.memory_space<vmem_shared>> -> memref<632x32xf32, #tpu.memory_space<vmem_shared>>
        %dma_wait3A_45 = arith.constant 0 : i32
        %dma_wait3A_46 = tpu.memref_slice %arg2[%mul3A_0, %dma_wait3A_45] : memref<10112x32xf32, #tpu.memory_space<hbm>> -> memref<632x32xf32, #tpu.memory_space<hbm>>
        tpu.wait_dma2 semaphore(%run_scoped3A : memref<!tpu.dma_semaphore, #tpu.memory_space<semaphore_mem>>) src(%dma_wait3A_46 : memref<632x32xf32, #tpu.memory_space<hbm>>) dst(%dma_wait3A_44 : memref<632x32xf32, #tpu.memory_space<vmem_shared>>)
        tpu.yield
      }) : () -> ()
    } else {
    }
    %ne3A = arith.constant 0 : i32
    %ne3A_3 = arith.cmpi ne, %arg0, %ne3A : i32
    %convert_element_type3A_4 = arith.extui %ne3A_3 : i1 to i32
    %cond3A_5 = arith.constant 0 : i32
    %cond3A_6 = arith.cmpi ne, %convert_element_type3A_4, %cond3A_5 : i32
    scf.if %cond3A_6 {
      "tpu.region"() ({
        %run_scoped3A = tpu.sem_alloc : memref<!tpu.dma_semaphore, #tpu.memory_space<semaphore_mem>>
        %dma_start3A = arith.constant 0 : i32
        %dma_start3A_40 = tpu.memref_slice %arg22[%mul3A_0, %dma_start3A] : memref<10112x32xf32, #tpu.memory_space<vmem_shared>> -> memref<632x32xf32, #tpu.memory_space<vmem_shared>>
        %dma_start3A_41 = arith.constant 0 : i32
        %dma_start3A_42 = tpu.memref_slice %arg3[%mul3A_0, %dma_start3A_41] : memref<10112x32xf32, #tpu.memory_space<hbm>> -> memref<632x32xf32, #tpu.memory_space<hbm>>
        tpu.enqueue_dma source(%dma_start3A_42 : memref<632x32xf32, #tpu.memory_space<hbm>>) target(%dma_start3A_40 : memref<632x32xf32, #tpu.memory_space<vmem_shared>>) target_semaphore(%run_scoped3A : memref<!tpu.dma_semaphore, #tpu.memory_space<semaphore_mem>>)
        %dma_wait3A_43 = arith.constant 0 : i32
        %dma_wait3A_44 = tpu.memref_slice %arg22[%mul3A_0, %dma_wait3A_43] : memref<10112x32xf32, #tpu.memory_space<vmem_shared>> -> memref<632x32xf32, #tpu.memory_space<vmem_shared>>
        %dma_wait3A_45 = arith.constant 0 : i32
        %dma_wait3A_46 = tpu.memref_slice %arg3[%mul3A_0, %dma_wait3A_45] : memref<10112x32xf32, #tpu.memory_space<hbm>> -> memref<632x32xf32, #tpu.memory_space<hbm>>
        tpu.wait_dma2 semaphore(%run_scoped3A : memref<!tpu.dma_semaphore, #tpu.memory_space<semaphore_mem>>) src(%dma_wait3A_46 : memref<632x32xf32, #tpu.memory_space<hbm>>) dst(%dma_wait3A_44 : memref<632x32xf32, #tpu.memory_space<vmem_shared>>)
        tpu.yield
      }) : () -> ()
      "tpu.region"() ({
        %run_scoped3A = tpu.sem_alloc : memref<!tpu.dma_semaphore, #tpu.memory_space<semaphore_mem>>
        %dma_start3A = arith.constant 0 : i32
        %dma_start3A_40 = tpu.memref_slice %arg21[%mul3A_0, %dma_start3A] : memref<10112x32xf32, #tpu.memory_space<vmem_shared>> -> memref<632x32xf32, #tpu.memory_space<vmem_shared>>
        %dma_start3A_41 = arith.constant 0 : i32
        %dma_start3A_42 = tpu.memref_slice %arg3[%mul3A_0, %dma_start3A_41] : memref<10112x32xf32, #tpu.memory_space<hbm>> -> memref<632x32xf32, #tpu.memory_space<hbm>>
        tpu.enqueue_dma source(%dma_start3A_42 : memref<632x32xf32, #tpu.memory_space<hbm>>) target(%dma_start3A_40 : memref<632x32xf32, #tpu.memory_space<vmem_shared>>) target_semaphore(%run_scoped3A : memref<!tpu.dma_semaphore, #tpu.memory_space<semaphore_mem>>)
        %dma_wait3A_43 = arith.constant 0 : i32
        %dma_wait3A_44 = tpu.memref_slice %arg21[%mul3A_0, %dma_wait3A_43] : memref<10112x32xf32, #tpu.memory_space<vmem_shared>> -> memref<632x32xf32, #tpu.memory_space<vmem_shared>>
        %dma_wait3A_45 = arith.constant 0 : i32
        %dma_wait3A_46 = tpu.memref_slice %arg3[%mul3A_0, %dma_wait3A_45] : memref<10112x32xf32, #tpu.memory_space<hbm>> -> memref<632x32xf32, #tpu.memory_space<hbm>>
        tpu.wait_dma2 semaphore(%run_scoped3A : memref<!tpu.dma_semaphore, #tpu.memory_space<semaphore_mem>>) src(%dma_wait3A_46 : memref<632x32xf32, #tpu.memory_space<hbm>>) dst(%dma_wait3A_44 : memref<632x32xf32, #tpu.memory_space<vmem_shared>>)
        tpu.yield
      }) : () -> ()
    } else {
    }
    %barrier3A = arith.constant 0 : index
    tpu.barrier barrier_id(%barrier3A)
    %scan3A = arith.constant 0 : i32
    %scan3A_7 = arith.constant 0 : i32
    %scan3A_8 = arith.constant 20 : i32
    %scan3A_9 = arith.addi %scan3A_7, %scan3A_8 : i32
    %scan3A_10 = arith.constant 1 : i32
    scf.for %scan3A_40 = %scan3A_7 to %scan3A_9 step %scan3A_10  : i32 {
      %mul3A_41 = arith.constant 4 : i32
      %mul3A_42 = arith.muli %mul3A_41, %scan3A_40 : i32
      %gt3A = arith.constant 0 : i32
      %gt3A_43 = arith.cmpi sgt, %scan3A_40, %gt3A : i32
      %convert_element_type3A_44 = arith.extui %gt3A_43 : i1 to i32
      %cond3A_45 = arith.constant 0 : i32
      %cond3A_46 = arith.cmpi ne, %convert_element_type3A_44, %cond3A_45 : i32
      scf.if %cond3A_46 {
        %dma_wait3A_148 = arith.constant 0 : i32
        %dma_wait3A_149 = arith.constant 0 : i32
        %dma_wait3A_150 = tpu.memref_slice %arg8[%dma_wait3A_148, %dma_wait3A_149] : memref<80x256xi32, #tpu.memory_space<vmem>> -> memref<1x256xi32, #tpu.memory_space<vmem>>
        %dma_wait3A_151 = tpu.memref_squeeze %dma_wait3A_150 : memref<1x256xi32, #tpu.memory_space<vmem>> -> memref<256xi32, #tpu.memory_space<vmem>>
        %dma_wait3A_152 = arith.constant 0 : i32
        %dma_wait3A_153 = arith.constant 0 : i32
        %dma_wait3A_154 = tpu.memref_slice %arg21[%dma_wait3A_152, %dma_wait3A_153] : memref<10112x32xf32, #tpu.memory_space<vmem_shared>> -> memref<10112x32xf32, #tpu.memory_space<vmem_shared>>
        tpu.wait_indirect_dma semaphore(%arg17 : memref<!tpu.dma_semaphore, #tpu.memory_space<semaphore_mem>>) src(%arg9 : memref<256x32xf32, #tpu.memory_space<vmem>>) dst(%dma_wait3A_154 : memref<10112x32xf32, #tpu.memory_space<vmem_shared>>)
      } else {
      }
      %add3A = arith.constant 0 : i32
      %add3A_47 = arith.addi %mul3A_42, %add3A : i32
      %dma_start3A = arith.constant 0 : i32
      %dma_start3A_48 = tpu.memref_slice %arg7[%add3A_47, %dma_start3A] : memref<80x256xi32, #tpu.memory_space<vmem>> -> memref<1x256xi32, #tpu.memory_space<vmem>>
      %dma_start3A_49 = tpu.memref_squeeze %dma_start3A_48 : memref<1x256xi32, #tpu.memory_space<vmem>> -> memref<256xi32, #tpu.memory_space<vmem>>
      %dma_start3A_50 = arith.constant 0 : i32
      %dma_start3A_51 = arith.constant 0 : i32
      %dma_start3A_52 = tpu.memref_slice %arg22[%dma_start3A_50, %dma_start3A_51] : memref<10112x32xf32, #tpu.memory_space<vmem_shared>> -> memref<10112x32xf32, #tpu.memory_space<vmem_shared>>
      tpu.enqueue_indirect_dma source(%dma_start3A_52 : memref<10112x32xf32, #tpu.memory_space<vmem_shared>>) target(%arg9 : memref<256x32xf32, #tpu.memory_space<vmem>>) offsets(%dma_start3A_49 : memref<256xi32, #tpu.memory_space<vmem>>) semaphore(%arg13 : memref<!tpu.dma_semaphore, #tpu.memory_space<semaphore_mem>>)
      %gt3A_53 = arith.constant 0 : i32
      %gt3A_54 = arith.cmpi sgt, %scan3A_40, %gt3A_53 : i32
      %convert_element_type3A_55 = arith.extui %gt3A_54 : i1 to i32
      %cond3A_56 = arith.constant 0 : i32
      %cond3A_57 = arith.cmpi ne, %convert_element_type3A_55, %cond3A_56 : i32
      scf.if %cond3A_57 {
        %dma_wait3A_148 = arith.constant 0 : i32
        %dma_wait3A_149 = arith.constant 0 : i32
        %dma_wait3A_150 = tpu.memref_slice %arg8[%dma_wait3A_148, %dma_wait3A_149] : memref<80x256xi32, #tpu.memory_space<vmem>> -> memref<1x256xi32, #tpu.memory_space<vmem>>
        %dma_wait3A_151 = tpu.memref_squeeze %dma_wait3A_150 : memref<1x256xi32, #tpu.memory_space<vmem>> -> memref<256xi32, #tpu.memory_space<vmem>>
        %dma_wait3A_152 = arith.constant 0 : i32
        %dma_wait3A_153 = arith.constant 0 : i32
        %dma_wait3A_154 = tpu.memref_slice %arg21[%dma_wait3A_152, %dma_wait3A_153] : memref<10112x32xf32, #tpu.memory_space<vmem_shared>> -> memref<10112x32xf32, #tpu.memory_space<vmem_shared>>
        tpu.wait_indirect_dma semaphore(%arg18 : memref<!tpu.dma_semaphore, #tpu.memory_space<semaphore_mem>>) src(%arg10 : memref<256x32xf32, #tpu.memory_space<vmem>>) dst(%dma_wait3A_154 : memref<10112x32xf32, #tpu.memory_space<vmem_shared>>)
      } else {
      }
      %add3A_58 = arith.constant 1 : i32
      %add3A_59 = arith.addi %mul3A_42, %add3A_58 : i32
      %dma_start3A_60 = arith.constant 0 : i32
      %dma_start3A_61 = tpu.memref_slice %arg7[%add3A_59, %dma_start3A_60] : memref<80x256xi32, #tpu.memory_space<vmem>> -> memref<1x256xi32, #tpu.memory_space<vmem>>
      %dma_start3A_62 = tpu.memref_squeeze %dma_start3A_61 : memref<1x256xi32, #tpu.memory_space<vmem>> -> memref<256xi32, #tpu.memory_space<vmem>>
      %dma_start3A_63 = arith.constant 0 : i32
      %dma_start3A_64 = arith.constant 0 : i32
      %dma_start3A_65 = tpu.memref_slice %arg22[%dma_start3A_63, %dma_start3A_64] : memref<10112x32xf32, #tpu.memory_space<vmem_shared>> -> memref<10112x32xf32, #tpu.memory_space<vmem_shared>>
      tpu.enqueue_indirect_dma source(%dma_start3A_65 : memref<10112x32xf32, #tpu.memory_space<vmem_shared>>) target(%arg10 : memref<256x32xf32, #tpu.memory_space<vmem>>) offsets(%dma_start3A_62 : memref<256xi32, #tpu.memory_space<vmem>>) semaphore(%arg14 : memref<!tpu.dma_semaphore, #tpu.memory_space<semaphore_mem>>)
      %gt3A_66 = arith.constant 0 : i32
      %gt3A_67 = arith.cmpi sgt, %scan3A_40, %gt3A_66 : i32
      %convert_element_type3A_68 = arith.extui %gt3A_67 : i1 to i32
      %cond3A_69 = arith.constant 0 : i32
      %cond3A_70 = arith.cmpi ne, %convert_element_type3A_68, %cond3A_69 : i32
      scf.if %cond3A_70 {
        %dma_wait3A_148 = arith.constant 0 : i32
        %dma_wait3A_149 = arith.constant 0 : i32
        %dma_wait3A_150 = tpu.memref_slice %arg8[%dma_wait3A_148, %dma_wait3A_149] : memref<80x256xi32, #tpu.memory_space<vmem>> -> memref<1x256xi32, #tpu.memory_space<vmem>>
        %dma_wait3A_151 = tpu.memref_squeeze %dma_wait3A_150 : memref<1x256xi32, #tpu.memory_space<vmem>> -> memref<256xi32, #tpu.memory_space<vmem>>
        %dma_wait3A_152 = arith.constant 0 : i32
        %dma_wait3A_153 = arith.constant 0 : i32
        %dma_wait3A_154 = tpu.memref_slice %arg21[%dma_wait3A_152, %dma_wait3A_153] : memref<10112x32xf32, #tpu.memory_space<vmem_shared>> -> memref<10112x32xf32, #tpu.memory_space<vmem_shared>>
        tpu.wait_indirect_dma semaphore(%arg19 : memref<!tpu.dma_semaphore, #tpu.memory_space<semaphore_mem>>) src(%arg11 : memref<256x32xf32, #tpu.memory_space<vmem>>) dst(%dma_wait3A_154 : memref<10112x32xf32, #tpu.memory_space<vmem_shared>>)
      } else {
      }
      %add3A_71 = arith.constant 2 : i32
      %add3A_72 = arith.addi %mul3A_42, %add3A_71 : i32
      %dma_start3A_73 = arith.constant 0 : i32
      %dma_start3A_74 = tpu.memref_slice %arg7[%add3A_72, %dma_start3A_73] : memref<80x256xi32, #tpu.memory_space<vmem>> -> memref<1x256xi32, #tpu.memory_space<vmem>>
      %dma_start3A_75 = tpu.memref_squeeze %dma_start3A_74 : memref<1x256xi32, #tpu.memory_space<vmem>> -> memref<256xi32, #tpu.memory_space<vmem>>
      %dma_start3A_76 = arith.constant 0 : i32
      %dma_start3A_77 = arith.constant 0 : i32
      %dma_start3A_78 = tpu.memref_slice %arg22[%dma_start3A_76, %dma_start3A_77] : memref<10112x32xf32, #tpu.memory_space<vmem_shared>> -> memref<10112x32xf32, #tpu.memory_space<vmem_shared>>
      tpu.enqueue_indirect_dma source(%dma_start3A_78 : memref<10112x32xf32, #tpu.memory_space<vmem_shared>>) target(%arg11 : memref<256x32xf32, #tpu.memory_space<vmem>>) offsets(%dma_start3A_75 : memref<256xi32, #tpu.memory_space<vmem>>) semaphore(%arg15 : memref<!tpu.dma_semaphore, #tpu.memory_space<semaphore_mem>>)
      %gt3A_79 = arith.constant 0 : i32
      %gt3A_80 = arith.cmpi sgt, %scan3A_40, %gt3A_79 : i32
      %convert_element_type3A_81 = arith.extui %gt3A_80 : i1 to i32
      %cond3A_82 = arith.constant 0 : i32
      %cond3A_83 = arith.cmpi ne, %convert_element_type3A_81, %cond3A_82 : i32
      scf.if %cond3A_83 {
        %dma_wait3A_148 = arith.constant 0 : i32
        %dma_wait3A_149 = arith.constant 0 : i32
        %dma_wait3A_150 = tpu.memref_slice %arg8[%dma_wait3A_148, %dma_wait3A_149] : memref<80x256xi32, #tpu.memory_space<vmem>> -> memref<1x256xi32, #tpu.memory_space<vmem>>
        %dma_wait3A_151 = tpu.memref_squeeze %dma_wait3A_150 : memref<1x256xi32, #tpu.memory_space<vmem>> -> memref<256xi32, #tpu.memory_space<vmem>>
        %dma_wait3A_152 = arith.constant 0 : i32
        %dma_wait3A_153 = arith.constant 0 : i32
        %dma_wait3A_154 = tpu.memref_slice %arg21[%dma_wait3A_152, %dma_wait3A_153] : memref<10112x32xf32, #tpu.memory_space<vmem_shared>> -> memref<10112x32xf32, #tpu.memory_space<vmem_shared>>
        tpu.wait_indirect_dma semaphore(%arg20 : memref<!tpu.dma_semaphore, #tpu.memory_space<semaphore_mem>>) src(%arg12 : memref<256x32xf32, #tpu.memory_space<vmem>>) dst(%dma_wait3A_154 : memref<10112x32xf32, #tpu.memory_space<vmem_shared>>)
      } else {
      }
      %add3A_84 = arith.constant 3 : i32
      %add3A_85 = arith.addi %mul3A_42, %add3A_84 : i32
      %dma_start3A_86 = arith.constant 0 : i32
      %dma_start3A_87 = tpu.memref_slice %arg7[%add3A_85, %dma_start3A_86] : memref<80x256xi32, #tpu.memory_space<vmem>> -> memref<1x256xi32, #tpu.memory_space<vmem>>
      %dma_start3A_88 = tpu.memref_squeeze %dma_start3A_87 : memref<1x256xi32, #tpu.memory_space<vmem>> -> memref<256xi32, #tpu.memory_space<vmem>>
      %dma_start3A_89 = arith.constant 0 : i32
      %dma_start3A_90 = arith.constant 0 : i32
      %dma_start3A_91 = tpu.memref_slice %arg22[%dma_start3A_89, %dma_start3A_90] : memref<10112x32xf32, #tpu.memory_space<vmem_shared>> -> memref<10112x32xf32, #tpu.memory_space<vmem_shared>>
      tpu.enqueue_indirect_dma source(%dma_start3A_91 : memref<10112x32xf32, #tpu.memory_space<vmem_shared>>) target(%arg12 : memref<256x32xf32, #tpu.memory_space<vmem>>) offsets(%dma_start3A_88 : memref<256xi32, #tpu.memory_space<vmem>>) semaphore(%arg16 : memref<!tpu.dma_semaphore, #tpu.memory_space<semaphore_mem>>)
      %dma_wait3A_92 = arith.constant 0 : i32
      %dma_wait3A_93 = arith.constant 0 : i32
      %dma_wait3A_94 = tpu.memref_slice %arg2[%dma_wait3A_92, %dma_wait3A_93] : memref<10112x32xf32, #tpu.memory_space<hbm>> -> memref<256x32xf32, #tpu.memory_space<hbm>>
      %dma_wait3A_95 = arith.constant 0 : i32
      %dma_wait3A_96 = arith.constant 0 : i32
      %dma_wait3A_97 = tpu.memref_slice %arg2[%dma_wait3A_95, %dma_wait3A_96] : memref<10112x32xf32, #tpu.memory_space<hbm>> -> memref<256x32xf32, #tpu.memory_space<hbm>>
      tpu.wait_dma2 semaphore(%arg13 : memref<!tpu.dma_semaphore, #tpu.memory_space<semaphore_mem>>) src(%dma_wait3A_97 : memref<256x32xf32, #tpu.memory_space<hbm>>) dst(%arg9 : memref<256x32xf32, #tpu.memory_space<vmem>>)
      %add3A_98 = arith.constant 0 : i32
      %add3A_99 = arith.addi %mul3A_42, %add3A_98 : i32
      %dma_start3A_100 = arith.constant 0 : i32
      %dma_start3A_101 = tpu.memref_slice %arg8[%add3A_99, %dma_start3A_100] : memref<80x256xi32, #tpu.memory_space<vmem>> -> memref<1x256xi32, #tpu.memory_space<vmem>>
      %dma_start3A_102 = tpu.memref_squeeze %dma_start3A_101 : memref<1x256xi32, #tpu.memory_space<vmem>> -> memref<256xi32, #tpu.memory_space<vmem>>
      %dma_start3A_103 = arith.constant 0 : i32
      %dma_start3A_104 = arith.constant 0 : i32
      %dma_start3A_105 = tpu.memref_slice %arg21[%dma_start3A_103, %dma_start3A_104] : memref<10112x32xf32, #tpu.memory_space<vmem_shared>> -> memref<10112x32xf32, #tpu.memory_space<vmem_shared>>
      tpu.enqueue_indirect_dma source(%arg9 : memref<256x32xf32, #tpu.memory_space<vmem>>) target(%dma_start3A_105 : memref<10112x32xf32, #tpu.memory_space<vmem_shared>>) offsets(%dma_start3A_102 : memref<256xi32, #tpu.memory_space<vmem>>) semaphore(%arg17 : memref<!tpu.dma_semaphore, #tpu.memory_space<semaphore_mem>>) {add = true}
      %dma_wait3A_106 = arith.constant 0 : i32
      %dma_wait3A_107 = arith.constant 0 : i32
      %dma_wait3A_108 = tpu.memref_slice %arg2[%dma_wait3A_106, %dma_wait3A_107] : memref<10112x32xf32, #tpu.memory_space<hbm>> -> memref<256x32xf32, #tpu.memory_space<hbm>>
      %dma_wait3A_109 = arith.constant 0 : i32
      %dma_wait3A_110 = arith.constant 0 : i32
      %dma_wait3A_111 = tpu.memref_slice %arg2[%dma_wait3A_109, %dma_wait3A_110] : memref<10112x32xf32, #tpu.memory_space<hbm>> -> memref<256x32xf32, #tpu.memory_space<hbm>>
      tpu.wait_dma2 semaphore(%arg14 : memref<!tpu.dma_semaphore, #tpu.memory_space<semaphore_mem>>) src(%dma_wait3A_111 : memref<256x32xf32, #tpu.memory_space<hbm>>) dst(%arg10 : memref<256x32xf32, #tpu.memory_space<vmem>>)
      %add3A_112 = arith.constant 1 : i32
      %add3A_113 = arith.addi %mul3A_42, %add3A_112 : i32
      %dma_start3A_114 = arith.constant 0 : i32
      %dma_start3A_115 = tpu.memref_slice %arg8[%add3A_113, %dma_start3A_114] : memref<80x256xi32, #tpu.memory_space<vmem>> -> memref<1x256xi32, #tpu.memory_space<vmem>>
      %dma_start3A_116 = tpu.memref_squeeze %dma_start3A_115 : memref<1x256xi32, #tpu.memory_space<vmem>> -> memref<256xi32, #tpu.memory_space<vmem>>
      %dma_start3A_117 = arith.constant 0 : i32
      %dma_start3A_118 = arith.constant 0 : i32
      %dma_start3A_119 = tpu.memref_slice %arg21[%dma_start3A_117, %dma_start3A_118] : memref<10112x32xf32, #tpu.memory_space<vmem_shared>> -> memref<10112x32xf32, #tpu.memory_space<vmem_shared>>
      tpu.enqueue_indirect_dma source(%arg10 : memref<256x32xf32, #tpu.memory_space<vmem>>) target(%dma_start3A_119 : memref<10112x32xf32, #tpu.memory_space<vmem_shared>>) offsets(%dma_start3A_116 : memref<256xi32, #tpu.memory_space<vmem>>) semaphore(%arg18 : memref<!tpu.dma_semaphore, #tpu.memory_space<semaphore_mem>>) {add = true}
      %dma_wait3A_120 = arith.constant 0 : i32
      %dma_wait3A_121 = arith.constant 0 : i32
      %dma_wait3A_122 = tpu.memref_slice %arg2[%dma_wait3A_120, %dma_wait3A_121] : memref<10112x32xf32, #tpu.memory_space<hbm>> -> memref<256x32xf32, #tpu.memory_space<hbm>>
      %dma_wait3A_123 = arith.constant 0 : i32
      %dma_wait3A_124 = arith.constant 0 : i32
      %dma_wait3A_125 = tpu.memref_slice %arg2[%dma_wait3A_123, %dma_wait3A_124] : memref<10112x32xf32, #tpu.memory_space<hbm>> -> memref<256x32xf32, #tpu.memory_space<hbm>>
      tpu.wait_dma2 semaphore(%arg15 : memref<!tpu.dma_semaphore, #tpu.memory_space<semaphore_mem>>) src(%dma_wait3A_125 : memref<256x32xf32, #tpu.memory_space<hbm>>) dst(%arg11 : memref<256x32xf32, #tpu.memory_space<vmem>>)
      %add3A_126 = arith.constant 2 : i32
      %add3A_127 = arith.addi %mul3A_42, %add3A_126 : i32
      %dma_start3A_128 = arith.constant 0 : i32
      %dma_start3A_129 = tpu.memref_slice %arg8[%add3A_127, %dma_start3A_128] : memref<80x256xi32, #tpu.memory_space<vmem>> -> memref<1x256xi32, #tpu.memory_space<vmem>>
      %dma_start3A_130 = tpu.memref_squeeze %dma_start3A_129 : memref<1x256xi32, #tpu.memory_space<vmem>> -> memref<256xi32, #tpu.memory_space<vmem>>
      %dma_start3A_131 = arith.constant 0 : i32
      %dma_start3A_132 = arith.constant 0 : i32
      %dma_start3A_133 = tpu.memref_slice %arg21[%dma_start3A_131, %dma_start3A_132] : memref<10112x32xf32, #tpu.memory_space<vmem_shared>> -> memref<10112x32xf32, #tpu.memory_space<vmem_shared>>
      tpu.enqueue_indirect_dma source(%arg11 : memref<256x32xf32, #tpu.memory_space<vmem>>) target(%dma_start3A_133 : memref<10112x32xf32, #tpu.memory_space<vmem_shared>>) offsets(%dma_start3A_130 : memref<256xi32, #tpu.memory_space<vmem>>) semaphore(%arg19 : memref<!tpu.dma_semaphore, #tpu.memory_space<semaphore_mem>>) {add = true}
      %dma_wait3A_134 = arith.constant 0 : i32
      %dma_wait3A_135 = arith.constant 0 : i32
      %dma_wait3A_136 = tpu.memref_slice %arg2[%dma_wait3A_134, %dma_wait3A_135] : memref<10112x32xf32, #tpu.memory_space<hbm>> -> memref<256x32xf32, #tpu.memory_space<hbm>>
      %dma_wait3A_137 = arith.constant 0 : i32
      %dma_wait3A_138 = arith.constant 0 : i32
      %dma_wait3A_139 = tpu.memref_slice %arg2[%dma_wait3A_137, %dma_wait3A_138] : memref<10112x32xf32, #tpu.memory_space<hbm>> -> memref<256x32xf32, #tpu.memory_space<hbm>>
      tpu.wait_dma2 semaphore(%arg16 : memref<!tpu.dma_semaphore, #tpu.memory_space<semaphore_mem>>) src(%dma_wait3A_139 : memref<256x32xf32, #tpu.memory_space<hbm>>) dst(%arg12 : memref<256x32xf32, #tpu.memory_space<vmem>>)
      %add3A_140 = arith.constant 3 : i32
      %add3A_141 = arith.addi %mul3A_42, %add3A_140 : i32
      %dma_start3A_142 = arith.constant 0 : i32
      %dma_start3A_143 = tpu.memref_slice %arg8[%add3A_141, %dma_start3A_142] : memref<80x256xi32, #tpu.memory_space<vmem>> -> memref<1x256xi32, #tpu.memory_space<vmem>>
      %dma_start3A_144 = tpu.memref_squeeze %dma_start3A_143 : memref<1x256xi32, #tpu.memory_space<vmem>> -> memref<256xi32, #tpu.memory_space<vmem>>
      %dma_start3A_145 = arith.constant 0 : i32
      %dma_start3A_146 = arith.constant 0 : i32
      %dma_start3A_147 = tpu.memref_slice %arg21[%dma_start3A_145, %dma_start3A_146] : memref<10112x32xf32, #tpu.memory_space<vmem_shared>> -> memref<10112x32xf32, #tpu.memory_space<vmem_shared>>
      tpu.enqueue_indirect_dma source(%arg12 : memref<256x32xf32, #tpu.memory_space<vmem>>) target(%dma_start3A_147 : memref<10112x32xf32, #tpu.memory_space<vmem_shared>>) offsets(%dma_start3A_144 : memref<256xi32, #tpu.memory_space<vmem>>) semaphore(%arg20 : memref<!tpu.dma_semaphore, #tpu.memory_space<semaphore_mem>>) {add = true}
    }
    %scan3A_11 = arith.constant 20 : i32
    %dma_wait3A = arith.constant 0 : i32
    %dma_wait3A_12 = arith.constant 0 : i32
    %dma_wait3A_13 = tpu.memref_slice %arg8[%dma_wait3A, %dma_wait3A_12] : memref<80x256xi32, #tpu.memory_space<vmem>> -> memref<1x256xi32, #tpu.memory_space<vmem>>
    %dma_wait3A_14 = tpu.memref_squeeze %dma_wait3A_13 : memref<1x256xi32, #tpu.memory_space<vmem>> -> memref<256xi32, #tpu.memory_space<vmem>>
    %dma_wait3A_15 = arith.constant 0 : i32
    %dma_wait3A_16 = arith.constant 0 : i32
    %dma_wait3A_17 = tpu.memref_slice %arg21[%dma_wait3A_15, %dma_wait3A_16] : memref<10112x32xf32, #tpu.memory_space<vmem_shared>> -> memref<10112x32xf32, #tpu.memory_space<vmem_shared>>
    tpu.wait_indirect_dma semaphore(%arg17 : memref<!tpu.dma_semaphore, #tpu.memory_space<semaphore_mem>>) src(%arg9 : memref<256x32xf32, #tpu.memory_space<vmem>>) dst(%dma_wait3A_17 : memref<10112x32xf32, #tpu.memory_space<vmem_shared>>)
    %dma_wait3A_18 = arith.constant 0 : i32
    %dma_wait3A_19 = arith.constant 0 : i32
    %dma_wait3A_20 = tpu.memref_slice %arg8[%dma_wait3A_18, %dma_wait3A_19] : memref<80x256xi32, #tpu.memory_space<vmem>> -> memref<1x256xi32, #tpu.memory_space<vmem>>
    %dma_wait3A_21 = tpu.memref_squeeze %dma_wait3A_20 : memref<1x256xi32, #tpu.memory_space<vmem>> -> memref<256xi32, #tpu.memory_space<vmem>>
    %dma_wait3A_22 = arith.constant 0 : i32
    %dma_wait3A_23 = arith.constant 0 : i32
    %dma_wait3A_24 = tpu.memref_slice %arg21[%dma_wait3A_22, %dma_wait3A_23] : memref<10112x32xf32, #tpu.memory_space<vmem_shared>> -> memref<10112x32xf32, #tpu.memory_space<vmem_shared>>
    tpu.wait_indirect_dma semaphore(%arg18 : memref<!tpu.dma_semaphore, #tpu.memory_space<semaphore_mem>>) src(%arg10 : memref<256x32xf32, #tpu.memory_space<vmem>>) dst(%dma_wait3A_24 : memref<10112x32xf32, #tpu.memory_space<vmem_shared>>)
    %dma_wait3A_25 = arith.constant 0 : i32
    %dma_wait3A_26 = arith.constant 0 : i32
    %dma_wait3A_27 = tpu.memref_slice %arg8[%dma_wait3A_25, %dma_wait3A_26] : memref<80x256xi32, #tpu.memory_space<vmem>> -> memref<1x256xi32, #tpu.memory_space<vmem>>
    %dma_wait3A_28 = tpu.memref_squeeze %dma_wait3A_27 : memref<1x256xi32, #tpu.memory_space<vmem>> -> memref<256xi32, #tpu.memory_space<vmem>>
    %dma_wait3A_29 = arith.constant 0 : i32
    %dma_wait3A_30 = arith.constant 0 : i32
    %dma_wait3A_31 = tpu.memref_slice %arg21[%dma_wait3A_29, %dma_wait3A_30] : memref<10112x32xf32, #tpu.memory_space<vmem_shared>> -> memref<10112x32xf32, #tpu.memory_space<vmem_shared>>
    tpu.wait_indirect_dma semaphore(%arg19 : memref<!tpu.dma_semaphore, #tpu.memory_space<semaphore_mem>>) src(%arg11 : memref<256x32xf32, #tpu.memory_space<vmem>>) dst(%dma_wait3A_31 : memref<10112x32xf32, #tpu.memory_space<vmem_shared>>)
    %dma_wait3A_32 = arith.constant 0 : i32
    %dma_wait3A_33 = arith.constant 0 : i32
    %dma_wait3A_34 = tpu.memref_slice %arg8[%dma_wait3A_32, %dma_wait3A_33] : memref<80x256xi32, #tpu.memory_space<vmem>> -> memref<1x256xi32, #tpu.memory_space<vmem>>
    %dma_wait3A_35 = tpu.memref_squeeze %dma_wait3A_34 : memref<1x256xi32, #tpu.memory_space<vmem>> -> memref<256xi32, #tpu.memory_space<vmem>>
    %dma_wait3A_36 = arith.constant 0 : i32
    %dma_wait3A_37 = arith.constant 0 : i32
    %dma_wait3A_38 = tpu.memref_slice %arg21[%dma_wait3A_36, %dma_wait3A_37] : memref<10112x32xf32, #tpu.memory_space<vmem_shared>> -> memref<10112x32xf32, #tpu.memory_space<vmem_shared>>
    tpu.wait_indirect_dma semaphore(%arg20 : memref<!tpu.dma_semaphore, #tpu.memory_space<semaphore_mem>>) src(%arg12 : memref<256x32xf32, #tpu.memory_space<vmem>>) dst(%dma_wait3A_38 : memref<10112x32xf32, #tpu.memory_space<vmem_shared>>)
    %barrier3A_39 = arith.constant 0 : index
    tpu.barrier barrier_id(%barrier3A_39)
    "tpu.region"() ({
      %run_scoped3A = tpu.sem_alloc : memref<!tpu.dma_semaphore, #tpu.memory_space<semaphore_mem>>
      %dma_start3A = arith.constant 0 : i32
      %dma_start3A_40 = tpu.memref_slice %arg6[%arg0, %mul3A_0, %dma_start3A] : memref<2x10112x32xf32, #tpu.memory_space<hbm>> -> memref<1x632x32xf32, #tpu.memory_space<hbm>>
      %dma_start3A_41 = tpu.memref_squeeze %dma_start3A_40 : memref<1x632x32xf32, #tpu.memory_space<hbm>> -> memref<632x32xf32, #tpu.memory_space<hbm>>
      %dma_start3A_42 = arith.constant 0 : i32
      %dma_start3A_43 = tpu.memref_slice %arg21[%mul3A_0, %dma_start3A_42] : memref<10112x32xf32, #tpu.memory_space<vmem_shared>> -> memref<632x32xf32, #tpu.memory_space<vmem_shared>>
      tpu.enqueue_dma source(%dma_start3A_43 : memref<632x32xf32, #tpu.memory_space<vmem_shared>>) target(%dma_start3A_41 : memref<632x32xf32, #tpu.memory_space<hbm>>) target_semaphore(%run_scoped3A : memref<!tpu.dma_semaphore, #tpu.memory_space<semaphore_mem>>)
      %dma_wait3A_44 = arith.constant 0 : i32
      %dma_wait3A_45 = tpu.memref_slice %arg6[%arg0, %mul3A_0, %dma_wait3A_44] : memref<2x10112x32xf32, #tpu.memory_space<hbm>> -> memref<1x632x32xf32, #tpu.memory_space<hbm>>
      %dma_wait3A_46 = tpu.memref_squeeze %dma_wait3A_45 : memref<1x632x32xf32, #tpu.memory_space<hbm>> -> memref<632x32xf32, #tpu.memory_space<hbm>>
      %dma_wait3A_47 = arith.constant 0 : i32
      %dma_wait3A_48 = tpu.memref_slice %arg21[%mul3A_0, %dma_wait3A_47] : memref<10112x32xf32, #tpu.memory_space<vmem_shared>> -> memref<632x32xf32, #tpu.memory_space<vmem_shared>>
      tpu.wait_dma2 semaphore(%run_scoped3A : memref<!tpu.dma_semaphore, #tpu.memory_space<semaphore_mem>>) src(%dma_wait3A_48 : memref<632x32xf32, #tpu.memory_space<vmem_shared>>) dst(%dma_wait3A_46 : memref<632x32xf32, #tpu.memory_space<hbm>>)
      tpu.yield
    }) : () -> ()
    return
  }
}

#map = affine_map<(d0, d1) -> (0, 0, 0)>
#map1 = affine_map<(d0, d1) -> (0, 0)>
module attributes {stable_mosaic.version = 14 : i64} {
  func.func @deg_kernel(%arg0: i32, %arg1: i32, %arg2: memref<32x40x256xi32, #tpu.memory_space<hbm>>, %arg3: memref<256x8xf32, #tpu.memory_space<hbm>>, %arg4: memref<10112x8xf32, #tpu.memory_space<hbm>>, %arg5: memref<2x10112x8xf32, #tpu.memory_space<hbm>>, %arg6: memref<40x256xi32, #tpu.memory_space<vmem>>, %arg7: memref<256x8xf32, #tpu.memory_space<vmem>>, %arg8: memref<10112x8xf32, #tpu.memory_space<vmem_shared>>) attributes {dimension_semantics = [#tpu.dimension_semantics<core_parallel>, #tpu.dimension_semantics<subcore_parallel>], iteration_bounds = array<i64: 2, 16>, scalar_prefetch = 0 : i64, scratch_operands = 3 : i64, tpu.core_type = #tpu.core_type<sc_vector_subcore>, window_params = [{transform_indices = #map}, {transform_indices = #map1}, {transform_indices = #map1}, {transform_indices = #map}]} {
    %mul3A = arith.constant 2 : i32
    %mul3A_0 = arith.muli %arg1, %mul3A : i32
    %add3A = arith.addi %mul3A_0, %arg0 : i32
    "tpu.region"() ({
      %run_scoped3A = tpu.sem_alloc : memref<!tpu.dma_semaphore, #tpu.memory_space<semaphore_mem>>
      %dma_start3A = arith.constant 0 : i32
      %dma_start3A_9 = arith.constant 0 : i32
      %dma_start3A_10 = tpu.memref_slice %arg2[%add3A, %dma_start3A, %dma_start3A_9] : memref<32x40x256xi32, #tpu.memory_space<hbm>> -> memref<1x40x256xi32, #tpu.memory_space<hbm>>
      %dma_start3A_11 = tpu.memref_squeeze %dma_start3A_10 : memref<1x40x256xi32, #tpu.memory_space<hbm>> -> memref<40x256xi32, #tpu.memory_space<hbm>>
      %dma_start3A_12 = arith.constant 0 : i32
      %dma_start3A_13 = arith.constant 0 : i32
      %dma_start3A_14 = tpu.memref_slice %arg2[%add3A, %dma_start3A_12, %dma_start3A_13] : memref<32x40x256xi32, #tpu.memory_space<hbm>> -> memref<1x40x256xi32, #tpu.memory_space<hbm>>
      %dma_start3A_15 = tpu.memref_squeeze %dma_start3A_14 : memref<1x40x256xi32, #tpu.memory_space<hbm>> -> memref<40x256xi32, #tpu.memory_space<hbm>>
      tpu.enqueue_dma source(%dma_start3A_15 : memref<40x256xi32, #tpu.memory_space<hbm>>) target(%arg6 : memref<40x256xi32, #tpu.memory_space<vmem>>) target_semaphore(%run_scoped3A : memref<!tpu.dma_semaphore, #tpu.memory_space<semaphore_mem>>)
      %dma_wait3A = arith.constant 0 : i32
      %dma_wait3A_16 = arith.constant 0 : i32
      %dma_wait3A_17 = tpu.memref_slice %arg2[%add3A, %dma_wait3A, %dma_wait3A_16] : memref<32x40x256xi32, #tpu.memory_space<hbm>> -> memref<1x40x256xi32, #tpu.memory_space<hbm>>
      %dma_wait3A_18 = tpu.memref_squeeze %dma_wait3A_17 : memref<1x40x256xi32, #tpu.memory_space<hbm>> -> memref<40x256xi32, #tpu.memory_space<hbm>>
      %dma_wait3A_19 = arith.constant 0 : i32
      %dma_wait3A_20 = arith.constant 0 : i32
      %dma_wait3A_21 = tpu.memref_slice %arg2[%add3A, %dma_wait3A_19, %dma_wait3A_20] : memref<32x40x256xi32, #tpu.memory_space<hbm>> -> memref<1x40x256xi32, #tpu.memory_space<hbm>>
      %dma_wait3A_22 = tpu.memref_squeeze %dma_wait3A_21 : memref<1x40x256xi32, #tpu.memory_space<hbm>> -> memref<40x256xi32, #tpu.memory_space<hbm>>
      tpu.wait_dma2 semaphore(%run_scoped3A : memref<!tpu.dma_semaphore, #tpu.memory_space<semaphore_mem>>) src(%dma_wait3A_22 : memref<40x256xi32, #tpu.memory_space<hbm>>) dst(%arg6 : memref<40x256xi32, #tpu.memory_space<vmem>>)
      tpu.yield
    }) : () -> ()
    "tpu.region"() ({
      %run_scoped3A = tpu.sem_alloc : memref<!tpu.dma_semaphore, #tpu.memory_space<semaphore_mem>>
      tpu.enqueue_dma source(%arg3 : memref<256x8xf32, #tpu.memory_space<hbm>>) target(%arg7 : memref<256x8xf32, #tpu.memory_space<vmem>>) target_semaphore(%run_scoped3A : memref<!tpu.dma_semaphore, #tpu.memory_space<semaphore_mem>>)
      tpu.wait_dma2 semaphore(%run_scoped3A : memref<!tpu.dma_semaphore, #tpu.memory_space<semaphore_mem>>) src(%arg3 : memref<256x8xf32, #tpu.memory_space<hbm>>) dst(%arg7 : memref<256x8xf32, #tpu.memory_space<vmem>>)
      tpu.yield
    }) : () -> ()
    %mul3A_1 = arith.constant 632 : i32
    %mul3A_2 = arith.muli %arg1, %mul3A_1 : i32
    "tpu.region"() ({
      %run_scoped3A = tpu.sem_alloc : memref<!tpu.dma_semaphore, #tpu.memory_space<semaphore_mem>>
      %dma_start3A = arith.constant 0 : i32
      %dma_start3A_9 = tpu.memref_slice %arg8[%mul3A_2, %dma_start3A] : memref<10112x8xf32, #tpu.memory_space<vmem_shared>> -> memref<632x8xf32, #tpu.memory_space<vmem_shared>>
      %dma_start3A_10 = arith.constant 0 : i32
      %dma_start3A_11 = tpu.memref_slice %arg4[%mul3A_2, %dma_start3A_10] : memref<10112x8xf32, #tpu.memory_space<hbm>> -> memref<632x8xf32, #tpu.memory_space<hbm>>
      tpu.enqueue_dma source(%dma_start3A_11 : memref<632x8xf32, #tpu.memory_space<hbm>>) target(%dma_start3A_9 : memref<632x8xf32, #tpu.memory_space<vmem_shared>>) target_semaphore(%run_scoped3A : memref<!tpu.dma_semaphore, #tpu.memory_space<semaphore_mem>>)
      %dma_wait3A = arith.constant 0 : i32
      %dma_wait3A_12 = tpu.memref_slice %arg8[%mul3A_2, %dma_wait3A] : memref<10112x8xf32, #tpu.memory_space<vmem_shared>> -> memref<632x8xf32, #tpu.memory_space<vmem_shared>>
      %dma_wait3A_13 = arith.constant 0 : i32
      %dma_wait3A_14 = tpu.memref_slice %arg4[%mul3A_2, %dma_wait3A_13] : memref<10112x8xf32, #tpu.memory_space<hbm>> -> memref<632x8xf32, #tpu.memory_space<hbm>>
      tpu.wait_dma2 semaphore(%run_scoped3A : memref<!tpu.dma_semaphore, #tpu.memory_space<semaphore_mem>>) src(%dma_wait3A_14 : memref<632x8xf32, #tpu.memory_space<hbm>>) dst(%dma_wait3A_12 : memref<632x8xf32, #tpu.memory_space<vmem_shared>>)
      tpu.yield
    }) : () -> ()
    %barrier3A = arith.constant 0 : index
    tpu.barrier barrier_id(%barrier3A)
    %scan3A = arith.constant 0 : i32
    %scan3A_3 = arith.constant 0 : i32
    %scan3A_4 = arith.constant 40 : i32
    %scan3A_5 = arith.addi %scan3A_3, %scan3A_4 : i32
    %scan3A_6 = arith.constant 1 : i32
    scf.for %scan3A_9 = %scan3A_3 to %scan3A_5 step %scan3A_6  : i32 {
      "tpu.region"() ({
        %run_scoped3A = tpu.sem_alloc : memref<!tpu.dma_semaphore, #tpu.memory_space<semaphore_mem>>
        %dma_start3A = arith.constant 0 : i32
        %dma_start3A_10 = tpu.memref_slice %arg6[%scan3A_9, %dma_start3A] : memref<40x256xi32, #tpu.memory_space<vmem>> -> memref<1x256xi32, #tpu.memory_space<vmem>>
        %dma_start3A_11 = tpu.memref_squeeze %dma_start3A_10 : memref<1x256xi32, #tpu.memory_space<vmem>> -> memref<256xi32, #tpu.memory_space<vmem>>
        %dma_start3A_12 = arith.constant 0 : i32
        %dma_start3A_13 = arith.constant 0 : i32
        %dma_start3A_14 = tpu.memref_slice %arg8[%dma_start3A_12, %dma_start3A_13] : memref<10112x8xf32, #tpu.memory_space<vmem_shared>> -> memref<10112x8xf32, #tpu.memory_space<vmem_shared>>
        tpu.enqueue_indirect_dma source(%arg7 : memref<256x8xf32, #tpu.memory_space<vmem>>) target(%dma_start3A_14 : memref<10112x8xf32, #tpu.memory_space<vmem_shared>>) offsets(%dma_start3A_11 : memref<256xi32, #tpu.memory_space<vmem>>) semaphore(%run_scoped3A : memref<!tpu.dma_semaphore, #tpu.memory_space<semaphore_mem>>) {add = true}
        %dma_wait3A = arith.constant 0 : i32
        %dma_wait3A_15 = tpu.memref_slice %arg6[%scan3A_9, %dma_wait3A] : memref<40x256xi32, #tpu.memory_space<vmem>> -> memref<1x256xi32, #tpu.memory_space<vmem>>
        %dma_wait3A_16 = tpu.memref_squeeze %dma_wait3A_15 : memref<1x256xi32, #tpu.memory_space<vmem>> -> memref<256xi32, #tpu.memory_space<vmem>>
        %dma_wait3A_17 = arith.constant 0 : i32
        %dma_wait3A_18 = arith.constant 0 : i32
        %dma_wait3A_19 = tpu.memref_slice %arg8[%dma_wait3A_17, %dma_wait3A_18] : memref<10112x8xf32, #tpu.memory_space<vmem_shared>> -> memref<10112x8xf32, #tpu.memory_space<vmem_shared>>
        tpu.wait_indirect_dma semaphore(%run_scoped3A : memref<!tpu.dma_semaphore, #tpu.memory_space<semaphore_mem>>) src(%arg7 : memref<256x8xf32, #tpu.memory_space<vmem>>) dst(%dma_wait3A_19 : memref<10112x8xf32, #tpu.memory_space<vmem_shared>>)
        tpu.yield
      }) : () -> ()
    }
    %scan3A_7 = arith.constant 40 : i32
    %barrier3A_8 = arith.constant 0 : index
    tpu.barrier barrier_id(%barrier3A_8)
    "tpu.region"() ({
      %run_scoped3A = tpu.sem_alloc : memref<!tpu.dma_semaphore, #tpu.memory_space<semaphore_mem>>
      %dma_start3A = arith.constant 0 : i32
      %dma_start3A_9 = tpu.memref_slice %arg5[%arg0, %mul3A_2, %dma_start3A] : memref<2x10112x8xf32, #tpu.memory_space<hbm>> -> memref<1x632x8xf32, #tpu.memory_space<hbm>>
      %dma_start3A_10 = tpu.memref_squeeze %dma_start3A_9 : memref<1x632x8xf32, #tpu.memory_space<hbm>> -> memref<632x8xf32, #tpu.memory_space<hbm>>
      %dma_start3A_11 = arith.constant 0 : i32
      %dma_start3A_12 = tpu.memref_slice %arg8[%mul3A_2, %dma_start3A_11] : memref<10112x8xf32, #tpu.memory_space<vmem_shared>> -> memref<632x8xf32, #tpu.memory_space<vmem_shared>>
      tpu.enqueue_dma source(%dma_start3A_12 : memref<632x8xf32, #tpu.memory_space<vmem_shared>>) target(%dma_start3A_10 : memref<632x8xf32, #tpu.memory_space<hbm>>) target_semaphore(%run_scoped3A : memref<!tpu.dma_semaphore, #tpu.memory_space<semaphore_mem>>)
      %dma_wait3A = arith.constant 0 : i32
      %dma_wait3A_13 = tpu.memref_slice %arg5[%arg0, %mul3A_2, %dma_wait3A] : memref<2x10112x8xf32, #tpu.memory_space<hbm>> -> memref<1x632x8xf32, #tpu.memory_space<hbm>>
      %dma_wait3A_14 = tpu.memref_squeeze %dma_wait3A_13 : memref<1x632x8xf32, #tpu.memory_space<hbm>> -> memref<632x8xf32, #tpu.memory_space<hbm>>
      %dma_wait3A_15 = arith.constant 0 : i32
      %dma_wait3A_16 = tpu.memref_slice %arg8[%mul3A_2, %dma_wait3A_15] : memref<10112x8xf32, #tpu.memory_space<vmem_shared>> -> memref<632x8xf32, #tpu.memory_space<vmem_shared>>
      tpu.wait_dma2 semaphore(%run_scoped3A : memref<!tpu.dma_semaphore, #tpu.memory_space<semaphore_mem>>) src(%dma_wait3A_16 : memref<632x8xf32, #tpu.memory_space<vmem_shared>>) dst(%dma_wait3A_14 : memref<632x8xf32, #tpu.memory_space<hbm>>)
      tpu.yield
    }) : () -> ()
    return
  }
}

module attributes {stable_mosaic.version = 14 : i64} {
  func.func @body(%arg0: memref<10112x128xf32, #tpu.memory_space<vmem>>, %arg1: memref<2x10112x8xf32, #tpu.memory_space<vmem>>, %arg2: memref<128x32xf32, #tpu.memory_space<vmem>>, %arg3: memref<10112x32xf32, #tpu.memory_space<vmem>>, %arg4: memref<10112x1xf32, #tpu.memory_space<vmem>>) attributes {dimension_semantics = [], scalar_prefetch = 0 : i64, scratch_operands = 0 : i64, tpu.core_type = #tpu.core_type<tc>} {
    %get3A = arith.constant 0 : index
    %get3A_0 = arith.constant 0 : index
    %get3A_1 = arith.constant 0 : index
    %get3A_2 = vector.load %arg1[%get3A, %get3A_0, %get3A_1] : memref<2x10112x8xf32, #tpu.memory_space<vmem>>, vector<1x10112x1xf32>
    %get3A_3 = vector.shape_cast %get3A_2 : vector<1x10112x1xf32> to vector<10112x1xf32>
    %get3A_4 = arith.constant 1 : index
    %get3A_5 = arith.constant 0 : index
    %get3A_6 = arith.constant 0 : index
    %get3A_7 = vector.load %arg1[%get3A_4, %get3A_5, %get3A_6] : memref<2x10112x8xf32, #tpu.memory_space<vmem>>, vector<1x10112x1xf32>
    %get3A_8 = vector.shape_cast %get3A_7 : vector<1x10112x1xf32> to vector<10112x1xf32>
    %add3A = arith.addf %get3A_3, %get3A_8 : vector<10112x1xf32>
    %add3A_9 = arith.constant 1.000000e+00 : f32
    %add3A_10 = vector.broadcast %add3A_9 : f32 to vector<10112x1xf32>
    %add3A_11 = arith.addf %add3A, %add3A_10 : vector<10112x1xf32>
    %rsqrt3A = math.rsqrt %add3A_11 : vector<10112x1xf32>
    %get3A_12 = arith.constant 0 : index
    %get3A_13 = arith.constant 0 : index
    %get3A_14 = vector.load %arg0[%get3A_12, %get3A_13] : memref<10112x128xf32, #tpu.memory_space<vmem>>, vector<10112x128xf32>
    %get3A_15 = arith.constant 0 : index
    %get3A_16 = arith.constant 0 : index
    %get3A_17 = vector.load %arg2[%get3A_15, %get3A_16] : memref<128x32xf32, #tpu.memory_space<vmem>>, vector<128x32xf32>
    %dot_general3A = arith.constant dense<0.000000e+00> : vector<10112x32xf32>
    %dot_general3A_18 = tpu.matmul %get3A_14, %get3A_17, %dot_general3A {dimension_numbers = #tpu.dot_dimension_numbers<[1], [0], [0], [1], [0, 0, 1, 1], [], []>, transpose_lhs_hint = false} : vector<10112x128xf32>, vector<128x32xf32>, vector<10112x32xf32> -> vector<10112x32xf32>
    %mul3A = vector.broadcast %rsqrt3A : vector<10112x1xf32> to vector<10112x32xf32>
    %mul3A_19 = arith.mulf %dot_general3A_18, %mul3A : vector<10112x32xf32>
    %swap3A = arith.constant 0 : index
    %swap3A_20 = arith.constant 0 : index
    %swap3A_21 = vector.load %arg3[%swap3A, %swap3A_20] : memref<10112x32xf32, #tpu.memory_space<vmem>>, vector<10112x32xf32>
    tpu.vector_store %arg3[%swap3A, %swap3A_20], %mul3A_19 {strides = array<i32>} : memref<10112x32xf32, #tpu.memory_space<vmem>>, vector<10112x32xf32>,
    %swap3A_22 = arith.constant 0 : index
    %swap3A_23 = arith.constant 0 : index
    %swap3A_24 = vector.load %arg4[%swap3A_22, %swap3A_23] : memref<10112x1xf32, #tpu.memory_space<vmem>>, vector<10112x1xf32>
    tpu.vector_store %arg4[%swap3A_22, %swap3A_23], %rsqrt3A {strides = array<i32>} : memref<10112x1xf32, #tpu.memory_space<vmem>>, vector<10112x1xf32>,
    return
  }
}

module attributes {stable_mosaic.version = 14 : i64} {
  func.func @body(%arg0: memref<2x10112x32xf32, #tpu.memory_space<vmem>>, %arg1: memref<10112x1xf32, #tpu.memory_space<vmem>>, %arg2: memref<1x32xf32, #tpu.memory_space<vmem>>, %arg3: memref<32x64xf32, #tpu.memory_space<vmem>>, %arg4: memref<10112x32xf32, #tpu.memory_space<vmem>>, %arg5: memref<10112x32xf32, #tpu.memory_space<vmem>>) attributes {dimension_semantics = [], scalar_prefetch = 0 : i64, scratch_operands = 0 : i64, tpu.core_type = #tpu.core_type<tc>} {
    %get3A = arith.constant 0 : index
    %get3A_0 = arith.constant 0 : index
    %get3A_1 = vector.load %arg1[%get3A, %get3A_0] : memref<10112x1xf32, #tpu.memory_space<vmem>>, vector<10112x1xf32>
    %get3A_2 = arith.constant 0 : index
    %get3A_3 = arith.constant 0 : index
    %get3A_4 = arith.constant 0 : index
    %get3A_5 = vector.load %arg0[%get3A_2, %get3A_3, %get3A_4] : memref<2x10112x32xf32, #tpu.memory_space<vmem>>, vector<1x10112x32xf32>
    %get3A_6 = vector.shape_cast %get3A_5 : vector<1x10112x32xf32> to vector<10112x32xf32>
    %get3A_7 = arith.constant 1 : index
    %get3A_8 = arith.constant 0 : index
    %get3A_9 = arith.constant 0 : index
    %get3A_10 = vector.load %arg0[%get3A_7, %get3A_8, %get3A_9] : memref<2x10112x32xf32, #tpu.memory_space<vmem>>, vector<1x10112x32xf32>
    %get3A_11 = vector.shape_cast %get3A_10 : vector<1x10112x32xf32> to vector<10112x32xf32>
    %add3A = arith.addf %get3A_6, %get3A_11 : vector<10112x32xf32>
    %mul3A = vector.broadcast %get3A_1 : vector<10112x1xf32> to vector<10112x32xf32>
    %mul3A_12 = arith.mulf %add3A, %mul3A : vector<10112x32xf32>
    %get3A_13 = arith.constant 0 : index
    %get3A_14 = arith.constant 0 : index
    %get3A_15 = vector.load %arg2[%get3A_13, %get3A_14] : memref<1x32xf32, #tpu.memory_space<vmem>>, vector<1x32xf32>
    %add3A_16 = vector.broadcast %get3A_15 : vector<1x32xf32> to vector<10112x32xf32>
    %add3A_17 = arith.addf %mul3A_12, %add3A_16 : vector<10112x32xf32>
    %max3A = arith.constant 0.000000e+00 : f32
    %max3A_18 = vector.broadcast %max3A : f32 to vector<10112x32xf32>
    %max3A_19 = arith.maximumf %add3A_17, %max3A_18 : vector<10112x32xf32>
    %get3A_20 = arith.constant 0 : index
    %get3A_21 = arith.constant 0 : index
    %get3A_22 = vector.load %arg3[%get3A_20, %get3A_21] : memref<32x64xf32, #tpu.memory_space<vmem>>, vector<32x64xf32>
    %dot_general3A = arith.constant dense<0.000000e+00> : vector<10112x64xf32>
    %dot_general3A_23 = tpu.matmul %max3A_19, %get3A_22, %dot_general3A {dimension_numbers = #tpu.dot_dimension_numbers<[1], [0], [0], [1], [0, 0, 1, 1], [], []>, transpose_lhs_hint = false} : vector<10112x32xf32>, vector<32x64xf32>, vector<10112x64xf32> -> vector<10112x64xf32>
    %mul3A_24 = vector.broadcast %get3A_1 : vector<10112x1xf32> to vector<10112x64xf32>
    %mul3A_25 = arith.mulf %dot_general3A_23, %mul3A_24 : vector<10112x64xf32>
    %slice3A = vector.extract_strided_slice %mul3A_25 {offsets = [0, 0], sizes = [10112, 32], strides = [1, 1]} : vector<10112x64xf32> to vector<10112x32xf32>
    %swap3A = arith.constant 0 : index
    %swap3A_26 = arith.constant 0 : index
    %swap3A_27 = vector.load %arg4[%swap3A, %swap3A_26] : memref<10112x32xf32, #tpu.memory_space<vmem>>, vector<10112x32xf32>
    tpu.vector_store %arg4[%swap3A, %swap3A_26], %slice3A {strides = array<i32>} : memref<10112x32xf32, #tpu.memory_space<vmem>>, vector<10112x32xf32>,
    %slice3A_28 = vector.extract_strided_slice %mul3A_25 {offsets = [0, 32], sizes = [10112, 32], strides = [1, 1]} : vector<10112x64xf32> to vector<10112x32xf32>
    %swap3A_29 = arith.constant 0 : index
    %swap3A_30 = arith.constant 0 : index
    %swap3A_31 = vector.load %arg5[%swap3A_29, %swap3A_30] : memref<10112x32xf32, #tpu.memory_space<vmem>>, vector<10112x32xf32>
    tpu.vector_store %arg5[%swap3A_29, %swap3A_30], %slice3A_28 {strides = array<i32>} : memref<10112x32xf32, #tpu.memory_space<vmem>>, vector<10112x32xf32>,
    return
  }
}

module attributes {stable_mosaic.version = 14 : i64} {
  func.func @body(%arg0: memref<2x10112x32xf32, #tpu.memory_space<vmem>>, %arg1: memref<10112x1xf32, #tpu.memory_space<vmem>>, %arg2: memref<1x64xf32, #tpu.memory_space<vmem>>, %arg3: memref<10112x64xf32, #tpu.memory_space<vmem>>) attributes {dimension_semantics = [], scalar_prefetch = 0 : i64, scratch_operands = 0 : i64, tpu.core_type = #tpu.core_type<tc>} {
    %get3A = arith.constant 0 : index
    %get3A_0 = arith.constant 0 : index
    %get3A_1 = arith.constant 0 : index
    %get3A_2 = vector.load %arg0[%get3A, %get3A_0, %get3A_1] : memref<2x10112x32xf32, #tpu.memory_space<vmem>>, vector<1x10112x32xf32>
    %get3A_3 = vector.shape_cast %get3A_2 : vector<1x10112x32xf32> to vector<10112x32xf32>
    %get3A_4 = arith.constant 1 : index
    %get3A_5 = arith.constant 0 : index
    %get3A_6 = arith.constant 0 : index
    %get3A_7 = vector.load %arg0[%get3A_4, %get3A_5, %get3A_6] : memref<2x10112x32xf32, #tpu.memory_space<vmem>>, vector<1x10112x32xf32>
    %get3A_8 = vector.shape_cast %get3A_7 : vector<1x10112x32xf32> to vector<10112x32xf32>
    %concatenate3A = tpu.concatenate %get3A_3, %get3A_8 in 1 : vector<10112x32xf32>, vector<10112x32xf32> -> vector<10112x64xf32>
    %get3A_9 = arith.constant 0 : index
    %get3A_10 = arith.constant 0 : index
    %get3A_11 = vector.load %arg1[%get3A_9, %get3A_10] : memref<10112x1xf32, #tpu.memory_space<vmem>>, vector<10112x1xf32>
    %mul3A = vector.broadcast %get3A_11 : vector<10112x1xf32> to vector<10112x64xf32>
    %mul3A_12 = arith.mulf %concatenate3A, %mul3A : vector<10112x64xf32>
    %get3A_13 = arith.constant 0 : index
    %get3A_14 = arith.constant 0 : index
    %get3A_15 = vector.load %arg2[%get3A_13, %get3A_14] : memref<1x64xf32, #tpu.memory_space<vmem>>, vector<1x64xf32>
    %add3A = vector.broadcast %get3A_15 : vector<1x64xf32> to vector<10112x64xf32>
    %add3A_16 = arith.addf %mul3A_12, %add3A : vector<10112x64xf32>
    %max3A = arith.constant 0.000000e+00 : f32
    %max3A_17 = vector.broadcast %max3A : f32 to vector<10112x64xf32>
    %max3A_18 = arith.maximumf %add3A_16, %max3A_17 : vector<10112x64xf32>
    %swap3A = arith.constant 0 : index
    %swap3A_19 = arith.constant 0 : index
    %swap3A_20 = vector.load %arg3[%swap3A, %swap3A_19] : memref<10112x64xf32, #tpu.memory_space<vmem>>, vector<10112x64xf32>
    tpu.vector_store %arg3[%swap3A, %swap3A_19], %max3A_18 {strides = array<i32>} : memref<10112x64xf32, #tpu.memory_space<vmem>>, vector<10112x64xf32>,
    return
  }
}

module attributes {stable_mosaic.version = 14 : i64} {
  func.func @body(%arg0: memref<1112x576xf32, #tpu.memory_space<vmem>>, %arg1: memref<64x64xf32, #tpu.memory_space<vmem>>, %arg2: memref<64x64xf32, #tpu.memory_space<vmem>>, %arg3: memref<1x64xf32, #tpu.memory_space<vmem>>, %arg4: memref<64x1xf32, #tpu.memory_space<vmem>>, %arg5: memref<1x1xf32, #tpu.memory_space<vmem>>, %arg6: memref<1112x2xf32, #tpu.memory_space<vmem>>) attributes {dimension_semantics = [], scalar_prefetch = 0 : i64, scratch_operands = 0 : i64, tpu.core_type = #tpu.core_type<tc>} {
    %get3A = arith.constant 0 : index
    %get3A_0 = arith.constant 0 : index
    %get3A_1 = vector.load %arg0[%get3A, %get3A_0] : memref<1112x576xf32, #tpu.memory_space<vmem>>, vector<1112x576xf32>
    %slice3A = vector.extract_strided_slice %get3A_1 {offsets = [0, 0], sizes = [1112, 64], strides = [1, 1]} : vector<1112x576xf32> to vector<1112x64xf32>
    %slice3A_2 = vector.extract_strided_slice %get3A_1 {offsets = [0, 64], sizes = [1112, 64], strides = [1, 1]} : vector<1112x576xf32> to vector<1112x64xf32>
    %add3A = arith.addf %slice3A, %slice3A_2 : vector<1112x64xf32>
    %slice3A_3 = vector.extract_strided_slice %get3A_1 {offsets = [0, 128], sizes = [1112, 64], strides = [1, 1]} : vector<1112x576xf32> to vector<1112x64xf32>
    %add3A_4 = arith.addf %add3A, %slice3A_3 : vector<1112x64xf32>
    %slice3A_5 = vector.extract_strided_slice %get3A_1 {offsets = [0, 192], sizes = [1112, 64], strides = [1, 1]} : vector<1112x576xf32> to vector<1112x64xf32>
    %add3A_6 = arith.addf %add3A_4, %slice3A_5 : vector<1112x64xf32>
    %slice3A_7 = vector.extract_strided_slice %get3A_1 {offsets = [0, 256], sizes = [1112, 64], strides = [1, 1]} : vector<1112x576xf32> to vector<1112x64xf32>
    %add3A_8 = arith.addf %add3A_6, %slice3A_7 : vector<1112x64xf32>
    %slice3A_9 = vector.extract_strided_slice %get3A_1 {offsets = [0, 320], sizes = [1112, 64], strides = [1, 1]} : vector<1112x576xf32> to vector<1112x64xf32>
    %add3A_10 = arith.addf %add3A_8, %slice3A_9 : vector<1112x64xf32>
    %slice3A_11 = vector.extract_strided_slice %get3A_1 {offsets = [0, 384], sizes = [1112, 64], strides = [1, 1]} : vector<1112x576xf32> to vector<1112x64xf32>
    %add3A_12 = arith.addf %add3A_10, %slice3A_11 : vector<1112x64xf32>
    %slice3A_13 = vector.extract_strided_slice %get3A_1 {offsets = [0, 448], sizes = [1112, 64], strides = [1, 1]} : vector<1112x576xf32> to vector<1112x64xf32>
    %add3A_14 = arith.addf %add3A_12, %slice3A_13 : vector<1112x64xf32>
    %slice3A_15 = vector.extract_strided_slice %get3A_1 {offsets = [0, 512], sizes = [1112, 64], strides = [1, 1]} : vector<1112x576xf32> to vector<1112x64xf32>
    %add3A_16 = arith.addf %add3A_14, %slice3A_15 : vector<1112x64xf32>
    %mul3A = arith.constant 0.111111112 : f32
    %mul3A_17 = vector.broadcast %mul3A : f32 to vector<1112x64xf32>
    %mul3A_18 = arith.mulf %add3A_16, %mul3A_17 : vector<1112x64xf32>
    %get3A_19 = arith.constant 0 : index
    %get3A_20 = arith.constant 0 : index
    %get3A_21 = vector.load %arg2[%get3A_19, %get3A_20] : memref<64x64xf32, #tpu.memory_space<vmem>>, vector<64x64xf32>
    %dot_general3A = arith.constant dense<0.000000e+00> : vector<1112x64xf32>
    %dot_general3A_22 = tpu.matmul %mul3A_18, %get3A_21, %dot_general3A {dimension_numbers = #tpu.dot_dimension_numbers<[1], [0], [0], [1], [0, 0, 1, 1], [], []>, transpose_lhs_hint = false} : vector<1112x64xf32>, vector<64x64xf32>, vector<1112x64xf32> -> vector<1112x64xf32>
    %slice3A_23 = vector.extract_strided_slice %get3A_1 {offsets = [0, 0], sizes = [1112, 64], strides = [1, 1]} : vector<1112x576xf32> to vector<1112x64xf32>
    %get3A_24 = arith.constant 0 : index
    %get3A_25 = arith.constant 0 : index
    %get3A_26 = vector.load %arg1[%get3A_24, %get3A_25] : memref<64x64xf32, #tpu.memory_space<vmem>>, vector<64x64xf32>
    %dot_general3A_27 = arith.constant dense<0.000000e+00> : vector<1112x64xf32>
    %dot_general3A_28 = tpu.matmul %slice3A_23, %get3A_26, %dot_general3A_27 {dimension_numbers = #tpu.dot_dimension_numbers<[1], [0], [0], [1], [0, 0, 1, 1], [], []>, transpose_lhs_hint = false} : vector<1112x64xf32>, vector<64x64xf32>, vector<1112x64xf32> -> vector<1112x64xf32>
    %add3A_29 = arith.addf %dot_general3A_28, %dot_general3A_22 : vector<1112x64xf32>
    %get3A_30 = arith.constant 0 : index
    %get3A_31 = arith.constant 0 : index
    %get3A_32 = vector.load %arg3[%get3A_30, %get3A_31] : memref<1x64xf32, #tpu.memory_space<vmem>>, vector<1x64xf32>
    %add3A_33 = vector.broadcast %get3A_32 : vector<1x64xf32> to vector<1112x64xf32>
    %add3A_34 = arith.addf %add3A_29, %add3A_33 : vector<1112x64xf32>
    %max3A = arith.constant 0.000000e+00 : f32
    %max3A_35 = vector.broadcast %max3A : f32 to vector<1112x64xf32>
    %max3A_36 = arith.maximumf %add3A_34, %max3A_35 : vector<1112x64xf32>
    %get3A_37 = arith.constant 0 : index
    %get3A_38 = arith.constant 0 : index
    %get3A_39 = vector.load %arg4[%get3A_37, %get3A_38] : memref<64x1xf32, #tpu.memory_space<vmem>>, vector<64x1xf32>
    %dot_general3A_40 = arith.constant dense<0.000000e+00> : vector<1112x1xf32>
    %dot_general3A_41 = tpu.matmul %max3A_36, %get3A_39, %dot_general3A_40 {dimension_numbers = #tpu.dot_dimension_numbers<[1], [0], [0], [1], [0, 0, 1, 1], [], []>, transpose_lhs_hint = false} : vector<1112x64xf32>, vector<64x1xf32>, vector<1112x1xf32> -> vector<1112x1xf32>
    %get3A_42 = arith.constant 0 : index
    %get3A_43 = arith.constant 0 : index
    %get3A_44 = vector.load %arg5[%get3A_42, %get3A_43] : memref<1x1xf32, #tpu.memory_space<vmem>>, vector<1x1xf32>
    %add3A_45 = vector.broadcast %get3A_44 : vector<1x1xf32> to vector<1112x1xf32>
    %add3A_46 = arith.addf %dot_general3A_41, %add3A_45 : vector<1112x1xf32>
    %slice3A_47 = vector.extract_strided_slice %get3A_1 {offsets = [0, 512], sizes = [1112, 64], strides = [1, 1]} : vector<1112x576xf32> to vector<1112x64xf32>
    %get3A_48 = arith.constant 0 : index
    %get3A_49 = arith.constant 0 : index
    %get3A_50 = vector.load %arg1[%get3A_48, %get3A_49] : memref<64x64xf32, #tpu.memory_space<vmem>>, vector<64x64xf32>
    %dot_general3A_51 = arith.constant dense<0.000000e+00> : vector<1112x64xf32>
    %dot_general3A_52 = tpu.matmul %slice3A_47, %get3A_50, %dot_general3A_51 {dimension_numbers = #tpu.dot_dimension_numbers<[1], [0], [0], [1], [0, 0, 1, 1], [], []>, transpose_lhs_hint = false} : vector<1112x64xf32>, vector<64x64xf32>, vector<1112x64xf32> -> vector<1112x64xf32>
    %add3A_53 = arith.addf %dot_general3A_52, %dot_general3A_22 : vector<1112x64xf32>
    %get3A_54 = arith.constant 0 : index
    %get3A_55 = arith.constant 0 : index
    %get3A_56 = vector.load %arg3[%get3A_54, %get3A_55] : memref<1x64xf32, #tpu.memory_space<vmem>>, vector<1x64xf32>
    %add3A_57 = vector.broadcast %get3A_56 : vector<1x64xf32> to vector<1112x64xf32>
    %add3A_58 = arith.addf %add3A_53, %add3A_57 : vector<1112x64xf32>
    %max3A_59 = arith.constant 0.000000e+00 : f32
    %max3A_60 = vector.broadcast %max3A_59 : f32 to vector<1112x64xf32>
    %max3A_61 = arith.maximumf %add3A_58, %max3A_60 : vector<1112x64xf32>
    %get3A_62 = arith.constant 0 : index
    %get3A_63 = arith.constant 0 : index
    %get3A_64 = vector.load %arg4[%get3A_62, %get3A_63] : memref<64x1xf32, #tpu.memory_space<vmem>>, vector<64x1xf32>
    %dot_general3A_65 = arith.constant dense<0.000000e+00> : vector<1112x1xf32>
    %dot_general3A_66 = tpu.matmul %max3A_61, %get3A_64, %dot_general3A_65 {dimension_numbers = #tpu.dot_dimension_numbers<[1], [0], [0], [1], [0, 0, 1, 1], [], []>, transpose_lhs_hint = false} : vector<1112x64xf32>, vector<64x1xf32>, vector<1112x1xf32> -> vector<1112x1xf32>
    %get3A_67 = arith.constant 0 : index
    %get3A_68 = arith.constant 0 : index
    %get3A_69 = vector.load %arg5[%get3A_67, %get3A_68] : memref<1x1xf32, #tpu.memory_space<vmem>>, vector<1x1xf32>
    %add3A_70 = vector.broadcast %get3A_69 : vector<1x1xf32> to vector<1112x1xf32>
    %add3A_71 = arith.addf %dot_general3A_66, %add3A_70 : vector<1112x1xf32>
    %concatenate3A = tpu.concatenate %add3A_46, %add3A_71 in 1 : vector<1112x1xf32>, vector<1112x1xf32> -> vector<1112x2xf32>
    %swap3A = arith.constant 0 : index
    %swap3A_72 = arith.constant 0 : index
    %swap3A_73 = vector.load %arg6[%swap3A, %swap3A_72] : memref<1112x2xf32, #tpu.memory_space<vmem>>, vector<1112x2xf32>
    tpu.vector_store %arg6[%swap3A, %swap3A_72], %concatenate3A {strides = array<i32>} : memref<1112x2xf32, #tpu.memory_space<vmem>>, vector<1112x2xf32>,
    return
  }
}

</mosaic_0001>

<sc_bundles>
// kernel: kernel.12.cloned.1.call-start
scs
__scs_entry_jumppad:
0x0: {  	(pc) =	sbr.rel $0x88, $3  }
0x1: {  	(tag) =	ssettag $0x0;
	lr =	simm.s32 $0x1  }
0x2: {  	[smem:$0x3F97] =	sst lr;
	_ =	strace $0xD0000000  }
0x3: {  	_ = 	snop  }
0x4: {  	_ = 	snop  }
0x5: {  	_ = 	snop  }
0x6: {  	_ = 	snop  }
0x7: {  	_ = 	snop  }
__scs_overlays_trampoline_lowered:
0x8: {  	[smem:$0x3FA6] =	sst s0  }
0x9: {  	[smem:$0x3FA7] =	sst s1  }
0xa: {  	[smem:$0x3FA8] =	sst s2  }
0xb: {  	[smem:$0x3FA9] =	sst s3  }
0xc: {  	[smem:$0x3FAA] =	sst s4  }
0xd: {  	[smem:$0x3FAB] =	sst s5  }
0xe: {  	[smem:$0x3FAC] =	sst s6  }
0xf: {  	[smem:$0x3FAD] =	sst s7  }
0x10: {  	[smem:$0x3FAE] =	sst s8  }
0x11: {  	[smem:$0x3FAF] =	sst s9;
	s0 =	simm.s32 @!p0 $0x0  }
0x12: {  	s1 =	sld [smem:$0x3F95];
	s0 =	simm.s32 @p0 $0x1  }
0x13: {  	[smem:$0x3FB0] =	sst s0;
	s0 =	simm.s32 @!p1 $0x0  }
0x14: {  	s2 =	sld [smem:$0x3F94];
	s0 =	simm.s32 @p1 $0x1  }
0x15: {  	[smem:$0x3FB1] =	sst s0;
	s0 =	simm.s32 @!p2 $0x0  }
0x16: {  	s3 =	sld [smem:$0x3FDB];
	s0 =	simm.s32 @p2 $0x1  }
0x17: {  	s4 =	simm.s32 $0x1BF5;
	[smem:$0x3FB3] =	sst s0  }
0x18: {  	s0 =	sld [smem:$0x3F96];
	_ =	swait.ge [sflag:s4], $0x0  }
0x19: {  	s7 =	sld [smem:$0x3F97]  }
0x1a: {  	s8 =	sadd.s32 $0xFFFFE003, lr  }
0x1b: {  	s9 =	sadd.s32 $0xFFFFFEF7, lr;
	s5 =	simm.s32 $0xFFFFFFFF;
	p2 =	slt.u32 s8, $0xFFFFF086  }
0x1c: {  	p1 =	slt.u32 s9, $0xF7A;
	s5 =	simm.s32 @!p2 $0x0  }
0x1d: {  	s5 =	simm.s32 @p1 $0x1;
	p0 =	seq.s32 s7, s2  }
0x1e: {  	s7 =	smul.u32 @!p0 $0xF7A, s2;
	p2 =	seq.s32 @!p0 s5, $0x0  }
0x1f: {  	s9 =	smul.u32 $0xF7A, s1;
	s8 =	simm.s32 @!p0 $0x1BF5;
	p2 =	por !p2, p0  }
0x20: {  	[sflag:s8] =	ssyncset.s32 @!p0 $0xFFFFF086;
	s6 =	sadd.s32 @!p0 s3, s7;
	s7 =	simm.s32 @!p0 $0x108  }
0x21: {  	s3 =	sadd.s32 s3, s9;
	s6 =	sadd.s32 @!p0 $0x88, s6;
	s7 =	simm.s32 @p2 $0x1082  }
0x22: {  	[simem:s7], [sflag:s8] =	dma.local @!p0 [hbm:s6], $0xF7A  }
0x23: {  	s9 =	sor.u32 $0xD0000000, s2;
	s6 =	simm.s32 $0x108;
	_ =	swait.ge @!p0 [sflag:s8], $0x0  }
0x24: {  	s3 =	sadd.s32 $0x88, s3;
	s6 =	simm.s32 @!p1 $0x1082;
	[sflag:s4] =	ssyncset.s32 $0xFFFFF086  }
0x25: {  	[simem:s6], [sflag:s4] =	dma.local [hbm:s3], $0xF7A  }
0x26: {  	[smem:$0x3F97] =	sst s1;
	(tag) =	ssettag s2;
	_ =	strace s9  }
0x27: {  	s1 =	sld [smem:$0x3FA7]  }
0x28: {  	s2 =	sld [smem:$0x3FA8]  }
0x29: {  	s4 =	sld [smem:$0x3FAA]  }
0x2a: {  	p0 =	seq.s32 s5, $0x0;
	s5 =	sld [smem:$0x3FAB]  }
0x2b: {  	s6 =	sld [smem:$0x3FAC]  }
0x2c: {  	s7 =	sld [smem:$0x3FAD]  }
0x2d: {  	s3 =	simm.s32 $0x108;
	s8 =	sld [smem:$0x3FAE]  }
0x2e: {  	s3 =	simm.s32 @!p0 $0x1082;
	s9 =	sld [smem:$0x3FAF]  }
0x2f: {  	lr =	sadd.s32 s0, s3;
	s0 =	sld [smem:$0x3FA6]  }
0x30: {  	s3 =	sld [smem:$0x3FA9]  }
0x31: {  	[smem:$0x3FB2] =	sst s10  }
0x32: {  	s10 =	sld [smem:$0x3FB0];
	_ =	sdelay $0x3  }
0x33: {  	p0 =	seq.s32 s10, $0x1;
	s10 =	sld [smem:$0x3FB2];
	_ =	sdelay $0x3  }
0x34: {  	[smem:$0x3FB2] =	sst s10  }
0x35: {  	s10 =	sld [smem:$0x3FB1];
	_ =	sdelay $0x3  }
0x36: {  	p1 =	seq.s32 s10, $0x1;
	s10 =	sld [smem:$0x3FB2];
	_ =	sdelay $0x3  }
0x37: {  	[smem:$0x3FB2] =	sst s10  }
0x38: {  	s10 =	sld [smem:$0x3FB3]  }
0x39: {  	_ = 	snop;
	(pc) =	sbr.ind lr, $3  }
0x3a: {  	_ = 	snop  }
0x3b: {  	_ = 	snop  }
0x3c: {  	p2 =	seq.s32 s10, $0x1;
	s10 =	sld [smem:$0x3FB2]  }
0x3d: {  	_ =	shalt  }
0x3e: {  	_ =	shalt  }
0x3f: {  	_ =	shalt  }
0x40: {  	_ =	shalt  }
0x41: {  	_ =	shalt  }
0x42: {  	_ =	shalt  }
0x43: {  	_ =	shalt  }
0x44: {  	_ =	shalt  }
0x45: {  	_ =	shalt  }
0x46: {  	_ =	shalt  }
0x47: {  	_ =	shalt  }
0x48: {  	_ =	shalt  }
0x49: {  	_ =	shalt  }
0x4a: {  	_ =	shalt  }
0x4b: {  	_ =	shalt  }
0x4c: {  	_ =	shalt  }
0x4d: {  	_ =	shalt  }
0x4e: {  	_ =	shalt  }
0x4f: {  	_ =	shalt  }
0x50: {  	_ =	shalt  }
0x51: {  	_ =	shalt  }
0x52: {  	_ =	shalt  }
0x53: {  	_ =	shalt  }
0x54: {  	_ =	shalt  }
0x55: {  	_ =	shalt  }
0x56: {  	_ =	shalt  }
0x57: {  	_ =	shalt  }
0x58: {  	_ =	shalt  }
0x59: {  	_ =	shalt  }
0x5a: {  	_ =	shalt  }
0x5b: {  	_ =	shalt  }
0x5c: {  	_ =	shalt  }
0x5d: {  	_ =	shalt  }
0x5e: {  	_ =	shalt  }
0x5f: {  	_ =	shalt  }
0x60: {  	_ =	shalt  }
0x61: {  	_ =	shalt  }
0x62: {  	_ =	shalt  }
0x63: {  	_ =	shalt  }
0x64: {  	_ =	shalt  }
0x65: {  	_ =	shalt  }
0x66: {  	_ =	shalt  }
0x67: {  	_ =	shalt  }
0x68: {  	_ =	shalt  }
0x69: {  	_ =	shalt  }
0x6a: {  	_ =	shalt  }
0x6b: {  	_ =	shalt  }
0x6c: {  	_ =	shalt  }
0x6d: {  	_ =	shalt  }
0x6e: {  	_ =	shalt  }
0x6f: {  	_ =	shalt  }
0x70: {  	_ =	shalt  }
0x71: {  	_ =	shalt  }
0x72: {  	_ =	shalt  }
0x73: {  	_ =	shalt  }
0x74: {  	_ =	shalt  }
0x75: {  	_ =	shalt  }
0x76: {  	_ =	shalt  }
0x77: {  	_ =	shalt  }
0x78: {  	_ =	shalt  }
0x79: {  	_ =	shalt  }
0x7a: {  	_ =	shalt  }
0x7b: {  	_ =	shalt  }
0x7c: {  	_ =	shalt  }
0x7d: {  	_ =	shalt  }
0x7e: {  	_ =	shalt  }
0x7f: {  	_ =	shalt  }
0x80: {  	_ =	shalt  }
0x81: {  	_ =	shalt  }
0x82: {  	_ =	shalt  }
0x83: {  	_ =	shalt  }
0x84: {  	_ =	shalt  }
0x85: {  	_ =	shalt  }
0x86: {  	_ =	shalt  }
0x87: {  	_ =	shalt  }
.Lfunc_end0:
.L_simem_size_0:
called_computation.1_lowered:
.L_overlay_start_0:
0x88: {  	s2 =	sld [smem:$0x3FD9]  }
0x89: {  	s3 =	sld [smem:$0x3FFE];
	_ =	sdelay $0x1  }
0x8a: {  	s1 =	srdreg.scid  }
0x8b: {  	s0 =	sand.u32 $0x1, s1  }
0x8c: {  	s16 =	sshll.u32 s0, $0xA;
	s2 =	sadd.s32 s3, s2  }
0x8d: {  	s2 =	sadd.s32 s2, s16  }
0x8e: {  	[smem:$0x3FBE] =	sst s2  }
0x8f: {  	_ = 	snop  }
0x90: {  	(tm) =	ssettm $0x1  }
0x91: {  	s17 =	sld [smem:$0x3FFB];
	_ =	sdelay $0x3  }
0x92: {  	_ =	strace s17  }
0x93: {  	s2 =	sld [smem:$0x3FFC];
	_ =	sdelay $0x3  }
0x94: {  	_ =	strace s2  }
0x95: {  	s2 =	sld [smem:$0x3FFD];
	_ =	sdelay $0x3  }
0x96: {  	_ =	strace s2  }
0x97: {  	_ =	strace $0x8FFFFFFF  }
0x98: {  	s18 =	sld [smem:$0x3FDB];
	_ =	sdelay $0x1  }
0x99: {  	s19 =	simm.s32 $_scs_section_size  }
0x9a: {  	s4 =	simm.s32 $_size__tile_overlayer_lowered;
	s5 =	simm.s32 $_tile_overlayer_lowered  }
0x9b: {  	s22 =	simm.s32 $0x1BFF;
	s21 =	sshll.u32 s5, $0x1;
	s2 =	sadd.s32 s19, s18  }
0x9c: {  	s6 =	simm.s32 $0x0;
	s20 =	sshll.u32 s4, $0x1;
	s4 =	sadd.s32 s21, s2  }
0x9d: {  	[timem:s6], [sflag:s22] =	dma.local [hbm:s4], s20  }
0x9e: {  	_ =	swait.ge [sflag:s22], s20  }
0x9f: {  	s3 =	ssub.s32 $0x0, s20;
	[sflag:s22] =	ssyncset.done $0x0  }
0xa0: {  	[sflag:s22] =	ssyncadd.s32 s3;
	_ =	sdelay $0x1  }
0xa1: {  	s23 =	simm.s32 $0x1B8B  }
0xa2: {  	_ =	swait.ge [sflag:s23], $0x1  }
0xa3: {  	[sflag:s23] =	ssyncset.done $0x0  }
0xa4: {  	s25 =	simm.s32 $0x1B8E;
	s24 =	sld [smem:$0x3FFE];
	[sflag:s23] =	ssyncadd.s32 $0xFFFFFFFF  }
0xa5: {  	s26 =	simm.s32 $execute0_lowered;
	[smem:$0x3FD2] =	sst s25  }
0xa6: {  	s4 =	sshll.u32 s26, $0x1;
	_ =	strace $0x80000049;
	[dreg:$0x1] =	wrdreg $0xFFFFFFFF  }
0xa7: {  	s28 =	simm.s32 $_size_execute0_lowered;
	s2 =	sadd.s32 s2, s4;
	[dreg:$0x0] =	wrdreg $0x0  }
0xa8: {  	s4 =	sshll.u32 s28, $0x1;
	[dreg:$0x2] =	wrdreg s2  }
0xa9: {  	[dreg:$0x3] =	wrdreg s4  }
0xaa: {  	[dreg:$0x4] =	wrdreg $0xC0  }
0xab: {  	_ =	task [dreg:s6], $0x5FFFF  }
0xac: {  	[dreg:$0x1] =	wrdreg $0xFFFFFFFF  }
0xad: {  	[dreg:$0x0] =	wrdreg $0x60  }
0xae: {  	[dreg:$0x2] =	wrdreg s24  }
0xaf: {  	[dreg:$0x3] =	wrdreg $0x11F000  }
0xb0: {  	[dreg:$0x4] =	wrdreg $0xD0000  }
0xb1: {  	[dreg:$0x5] =	wrdreg $0x9  }
0xb2: {  	_ =	task.clear_ibuf [dreg:s6], $0x6FFFF;
	_ =	strace $0x90000049  }
0xb3: {  	s29 =	simm.s32 $0x9;
	_ =	strace $0x8000004B  }
0xb4: {  	_ =	swait.ge [sflag:s29], $0x1  }
0xb5: {  	[sflag:s29] =	ssyncadd.s32 $0xFFFFFFFF  }
0xb6: {  	_ =	strace $0x9000004B  }
0xb7: {  	_ =	sfence  }
0xb8: {  	s30 =	sld [smem:$0x0];
	_ =	sdelay $0x2  }
0xb9: {  	s31 =	sshll.u32 s1, $0xD;
	s1 =	sshrl.u32 s1, $0x2  }
0xba: {  	s3 =	sand.u32 $0x4000, s31;
	s1 =	sadd.s32 s1, s30  }
0xbb: {  	s0 =	sor.u32 s3, s0;
	s1 =	sshll.u32 s1, $0x11  }
0xbc: {  	s0 =	sor.u32 s1, s0  }
0xbd: {  	s0 =	sadd.s32 $0x8F2B, s0  }
0xbe: {  	[sflag:s0] =	ssyncadd.remote.s32 $0x1  }
0xbf: {  	_ =	sfence.sel $0xFFFF  }
0xc0: {  	[dreg:$0x0] =	wrdreg $0xFFFFFFFF;
	(pc) =	sbr.abs _section_cstart, $3  }
0xc1: {  	[dreg:$0x1] =	wrdreg $0xFFFFFFFF  }
0xc2: {  	_ =	task.clear_ibuf [dreg:s6], $0x2FFFF;
	_ =	strace $0x9FFFFFFF  }
0xc3: {  	(tm) =	ssettm $0x7FFFFFFF  }
tec
execute0_lowered:
.L_overlay_start_1:
0x0: {  	(tag) =	ssettag $0x1  }
0x1: {  	s5 =	rddreg [dreg:$0x0]  }
0x2: {  	s0 =	srdreg.scid;
	s2 =	rddreg [dreg:$0x1]  }
0x3: {  	s13 =	stileid.u32;
	s3 =	rddreg [dreg:$0x2]  }
0x4: {  	s4 =	simm.s32 $0x0;
	s16 =	simm.s32 $0x100;
	s17 =	simm.s32 $0x5000  }
0x5: {  	s18 =	simm.s32 $0x7000;
	s20 =	simm.s32 $0x9000;
	s22 =	simm.s32 $0xB000  }
0x6: {  	s23 =	simm.s32 $0x1;
	s24 =	simm.s32 $0x2;
	s29 =	simm.s32 $0x4  }
0x7: {  	s31 =	simm.s32 $0x5;
	s19 =	simm.s32 $0x8;
	s21 =	simm.s32 $0x0  }
0x8: {  	s0 =	sand.u32 $0x1, s0;
	s1 =	sshll.u32 s13, $0x1;
	s8 =	smul.u32 $0x4F00, s13  }
0x9: {  	[smem:$0x7FF] =	sst s4;
	s30 =	sshll.u32 s13, $0x6;
	s1 =	sor.u32 s0, s1  }
0xa: {  	s6 =	smul.u32 $0x4F000, s0;
	_ =	strace $0x8000004A;
	s9 =	ssub.s32 $0x2, s0  }
0xb: {  	p0 =	seq.s32 s0, $0x0;
	s13 =	sor.u32 $0x1C09, s30;
	s0 =	simm.s32 $0x7  }
0xc: {  	s1 =	smul.u32 $0x500, s1;
	s7 =	sshrl.u32 s8, $0x3;
	s26 =	sshrl.u32 s9, $0x1  }
0xd: {  	s28 =	sadd.s32 s8, s2;
	s15 =	sadd.s32 s8, s3;
	s6 =	sadd.s32 s8, s6  }
0xe: {  	s10 =	sadd.s32 s7, s5;
	s12 =	ssub.s32 s9, s26;
	s14 =	sshrl.u32 s28, $0x3  }
0xf: {  	s15 =	sshrl.u32 s15, $0x3;
	s26 =	simm.s32 $0x3;
	s1 =	sadd.s32 s1, s5  }
0x10: {  	s6 =	sshrl.u32 s6, $0x3;
	s7 =	sadd.s32 $0x1D800, s10;
	s8 =	sadd.s32 $0x27600, s10  }
0x11: {  	s10 =	smax.u32 s12, $0x1;
	s12 =	simm.s32 $0x2800;
	s11 =	sadd.s32 s6, s5  }
0x12: {  	s5 =	sadd.s32 $0x13800, s1;
	s6 =	sadd.s32 $0x2000, s1;
	s8 =	smov.u32 @p0 s7  }
0x13: {  	s1 =	simm.s32 $0x6;
	s9 =	sadd.s32 $0x31400, s11;
	s11 =	simm.s32 $0x9  }
.LBB2_1:
0x14: {  	[tilespmem:s4], [sflag:$0x9] =	stream.linear.gather [hbm4b:s5+s4], $0x2800, $0x38;
	[tilespmem:$0x16E00] =	vst v63  }
0x15: {  	_ =	swait.ge [sflag:s11], $0x2800  }
0x16: {  	[sflag:s11] =	ssyncset.done $0x0  }
0x17: {  	[sflag:s11] =	ssyncadd.s32 $0xFFFFD800  }
0x18: {  	[tilespmem:s12], [sflag:$0x9] =	stream.linear.gather [hbm4b:s6+s4], $0x2800, $0x38;
	[tilespmem:$0x16E00] =	vst v63  }
0x19: {  	_ =	swait.ge [sflag:s11], $0x2800  }
0x1a: {  	[sflag:s11] =	ssyncset.done $0x0  }
0x1b: {  	[sflag:s11] =	ssyncadd.s32 $0xFFFFD800  }
0x1c: {  	[spmem:s14], [sflag:s13] =	dma.local [hbm:s7], $0x9E0  }
0x1d: {  	_ =	swait.ge [sflag:s11], $0x9E0  }
0x1e: {  	[sflag:s11] =	ssyncset.done $0x0  }
0x1f: {  	[sflag:s11] =	ssyncadd.s32 $0xFFFFF620  }
0x20: {  	[spmem:s15], [sflag:s13] =	dma.local [hbm:s8], $0x9E0  }
0x21: {  	_ =	swait.ge [sflag:s11], $0x9E0  }
0x22: {  	[sflag:s11] =	ssyncset.done $0x0  }
0x23: {  	[sflag:s11] =	ssyncadd.s32 $0xFFFFF620  }
0x24: {  	[bflag:$0x0] =	sbarrier.arrive $0xFFFF  }
0x25: {  	[tilespmem:s17], [sflag:$0x1] =	stream.indirect.gather [spmem:s2], $0x20, s4, s16, $0xb8;
	[tilespmem:$0x16E00] =	vst v63  }
0x26: {  	_ = 	snop  }
0x27: {  	[tilespmem:s18], [sflag:$0x2] =	stream.indirect.gather [spmem:s2], $0x20, s16, s16, $0xb8;
	[tilespmem:$0x16E00] =	vst v63  }
0x28: {  	s25 =	simm.s32 $0x200  }
0x29: {  	[tilespmem:s20], [sflag:$0x3] =	stream.indirect.gather [spmem:s2], $0x20, s25, s16, $0xb8;
	[tilespmem:$0x16E00] =	vst v63  }
0x2a: {  	s30 =	simm.s32 $0x300  }
0x2b: {  	[tilespmem:s22], [sflag:$0x4] =	stream.indirect.gather [spmem:s2], $0x20, s30, s16, $0xb8;
	[tilespmem:$0x16E00] =	vst v63  }
0x2c: {  	_ =	swait.ge [sflag:s23], $0x2000  }
0x2d: {  	[sflag:s23] =	ssyncset.done $0x0  }
0x2e: {  	[sflag:s23] =	ssyncadd.s32 $0xFFFFE000  }
0x2f: {  	[spmem:s3] =	stream.indirect.scatter.add.f32 [tilespmem:s17], [sflag:$0x5], $0x20, s12, s16, $0xb8;
	[tilespmem:$0x16E00] =	vst v63  }
0x30: {  	_ =	swait.ge [sflag:s24], $0x2000  }
0x31: {  	[sflag:s24] =	ssyncset.done $0x0  }
0x32: {  	s30 =	simm.s32 $0x2900;
	[sflag:s24] =	ssyncadd.s32 $0xFFFFE000  }
0x33: {  	[spmem:s3] =	stream.indirect.scatter.add.f32 [tilespmem:s18], [sflag:$0x6], $0x20, s30, s16, $0xb8;
	[tilespmem:$0x16E00] =	vst v63  }
0x34: {  	_ =	swait.ge [sflag:s26], $0x2000  }
0x35: {  	[sflag:s26] =	ssyncset.done $0x0  }
0x36: {  	s30 =	simm.s32 $0x2A00;
	[sflag:s26] =	ssyncadd.s32 $0xFFFFE000  }
0x37: {  	[spmem:s3] =	stream.indirect.scatter.add.f32 [tilespmem:s20], [sflag:$0x7], $0x20, s30, s16, $0xb8;
	[tilespmem:$0x16E00] =	vst v63  }
0x38: {  	_ =	swait.ge [sflag:s29], $0x2000  }
0x39: {  	[sflag:s29] =	ssyncset.done $0x0  }
0x3a: {  	s30 =	simm.s32 $0x2B00;
	[sflag:s29] =	ssyncadd.s32 $0xFFFFE000  }
0x3b: {  	[spmem:s3] =	stream.indirect.scatter.add.f32 [tilespmem:s22], [sflag:$0x8], $0x20, s30, s16, $0xb8;
	[tilespmem:$0x16E00] =	vst v63  }
0x3c: {  	_ =	swait.ge [sflag:s31], $0x2000  }
0x3d: {  	[sflag:s31] =	ssyncset.done $0x0  }
0x3e: {  	s30 =	simm.s32 $0x400;
	[sflag:s31] =	ssyncadd.s32 $0xFFFFE000  }
0x3f: {  	[tilespmem:s17], [sflag:$0x1] =	stream.indirect.gather [spmem:s2], $0x20, s30, s16, $0xb8;
	[tilespmem:$0x16E00] =	vst v63  }
0x40: {  	_ =	swait.ge [sflag:s1], $0x2000  }
0x41: {  	[sflag:s1] =	ssyncset.done $0x0  }
0x42: {  	s30 =	simm.s32 $0x500;
	[sflag:s1] =	ssyncadd.s32 $0xFFFFE000  }
0x43: {  	[tilespmem:s18], [sflag:$0x2] =	stream.indirect.gather [spmem:s2], $0x20, s30, s16, $0xb8;
	[tilespmem:$0x16E00] =	vst v63  }
0x44: {  	_ =	swait.ge [sflag:s0], $0x2000  }
0x45: {  	[sflag:s0] =	ssyncset.done $0x0  }
0x46: {  	s30 =	simm.s32 $0x600;
	[sflag:s0] =	ssyncadd.s32 $0xFFFFE000  }
0x47: {  	[tilespmem:s20], [sflag:$0x3] =	stream.indirect.gather [spmem:s2], $0x20, s30, s16, $0xb8;
	[tilespmem:$0x16E00] =	vst v63  }
0x48: {  	_ =	swait.ge [sflag:s19], $0x2000  }
0x49: {  	[sflag:s19] =	ssyncset.done $0x0  }
0x4a: {  	s30 =	simm.s32 $0x700;
	[sflag:s19] =	ssyncadd.s32 $0xFFFFE000  }
0x4b: {  	[tilespmem:s22], [sflag:$0x4] =	stream.indirect.gather [spmem:s2], $0x20, s30, s16, $0xb8;
	[tilespmem:$0x16E00] =	vst v63  }
0x4c: {  	_ =	swait.ge [sflag:s23], $0x2000  }
0x4d: {  	[sflag:s23] =	ssyncset.done $0x0  }
0x4e: {  	s30 =	simm.s32 $0x2C00;
	[sflag:s23] =	ssyncadd.s32 $0xFFFFE000  }
0x4f: {  	[spmem:s3] =	stream.indirect.scatter.add.f32 [tilespmem:s17], [sflag:$0x5], $0x20, s30, s16, $0xb8;
	[tilespmem:$0x16E00] =	vst v63  }
0x50: {  	_ =	swait.ge [sflag:s24], $0x2000  }
0x51: {  	[sflag:s24] =	ssyncset.done $0x0  }
0x52: {  	s30 =	simm.s32 $0x2D00;
	[sflag:s24] =	ssyncadd.s32 $0xFFFFE000  }
0x53: {  	[spmem:s3] =	stream.indirect.scatter.add.f32 [tilespmem:s18], [sflag:$0x6], $0x20, s30, s16, $0xb8;
	[tilespmem:$0x16E00] =	vst v63  }
0x54: {  	_ =	swait.ge [sflag:s26], $0x2000  }
0x55: {  	[sflag:s26] =	ssyncset.done $0x0  }
0x56: {  	s30 =	simm.s32 $0x2E00;
	[sflag:s26] =	ssyncadd.s32 $0xFFFFE000  }
0x57: {  	[spmem:s3] =	stream.indirect.scatter.add.f32 [tilespmem:s20], [sflag:$0x7], $0x20, s30, s16, $0xb8;
	[tilespmem:$0x16E00] =	vst v63  }
0x58: {  	_ =	swait.ge [sflag:s29], $0x2000  }
0x59: {  	[sflag:s29] =	ssyncset.done $0x0  }
0x5a: {  	s28 =	simm.s32 $0x2F00;
	s25 =	simm.s32 $0x1000;
	[sflag:s29] =	ssyncadd.s32 $0xFFFFE000  }
.LBB2_2:
0x5b: {  	[spmem:s3] =	stream.indirect.scatter.add.f32 [tilespmem:s22], [sflag:$0x8], $0x20, s28, s16, $0xb8;
	[tilespmem:$0x16E00] =	vst v63  }
0x5c: {  	s28 =	smov.u32 s25  }
0x5d: {  	p0 =	sne.s32 s25, $0x8000;
	s25 =	sadd.s32 $0x1000, s25;
	_ =	swait.ge [sflag:s31], $0x2000  }
0x5e: {  	s28 =	sshra.s32 s28, $0x2;
	[sflag:s31] =	ssyncset.done $0x0  }
0x5f: {  	s30 =	sadd.s32 $0x400, s28;
	[sflag:s31] =	ssyncadd.s32 $0xFFFFE000  }
0x60: {  	[tilespmem:s17], [sflag:$0x1] =	stream.indirect.gather [spmem:s2], $0x20, s30, s16, $0xb8;
	[tilespmem:$0x16E00] =	vst v63  }
0x61: {  	_ =	swait.ge [sflag:s1], $0x2000  }
0x62: {  	[sflag:s1] =	ssyncset.done $0x0  }
0x63: {  	s30 =	sadd.s32 $0x500, s28;
	[sflag:s1] =	ssyncadd.s32 $0xFFFFE000  }
0x64: {  	[tilespmem:s18], [sflag:$0x2] =	stream.indirect.gather [spmem:s2], $0x20, s30, s16, $0xb8;
	[tilespmem:$0x16E00] =	vst v63  }
0x65: {  	_ =	swait.ge [sflag:s0], $0x2000  }
0x66: {  	[sflag:s0] =	ssyncset.done $0x0  }
0x67: {  	s30 =	sadd.s32 $0x600, s28;
	[sflag:s0] =	ssyncadd.s32 $0xFFFFE000  }
0x68: {  	[tilespmem:s20], [sflag:$0x3] =	stream.indirect.gather [spmem:s2], $0x20, s30, s16, $0xb8;
	[tilespmem:$0x16E00] =	vst v63  }
0x69: {  	_ =	swait.ge [sflag:s19], $0x2000  }
0x6a: {  	[sflag:s19] =	ssyncset.done $0x0  }
0x6b: {  	s30 =	sadd.s32 $0x700, s28;
	[sflag:s19] =	ssyncadd.s32 $0xFFFFE000  }
0x6c: {  	[tilespmem:s22], [sflag:$0x4] =	stream.indirect.gather [spmem:s2], $0x20, s30, s16, $0xb8;
	[tilespmem:$0x16E00] =	vst v63  }
0x6d: {  	_ =	swait.ge [sflag:s23], $0x2000  }
0x6e: {  	[sflag:s23] =	ssyncset.done $0x0  }
0x6f: {  	s30 =	sadd.s32 $0x2C00, s28;
	[sflag:s23] =	ssyncadd.s32 $0xFFFFE000  }
0x70: {  	[spmem:s3] =	stream.indirect.scatter.add.f32 [tilespmem:s17], [sflag:$0x5], $0x20, s30, s16, $0xb8;
	[tilespmem:$0x16E00] =	vst v63  }
0x71: {  	_ =	swait.ge [sflag:s24], $0x2000  }
0x72: {  	[sflag:s24] =	ssyncset.done $0x0  }
0x73: {  	s30 =	sadd.s32 $0x2D00, s28;
	[sflag:s24] =	ssyncadd.s32 $0xFFFFE000  }
0x74: {  	[spmem:s3] =	stream.indirect.scatter.add.f32 [tilespmem:s18], [sflag:$0x6], $0x20, s30, s16, $0xb8;
	[tilespmem:$0x16E00] =	vst v63  }
0x75: {  	_ =	swait.ge [sflag:s26], $0x2000  }
0x76: {  	[sflag:s26] =	ssyncset.done $0x0  }
.Ltmp0:
0x77: {  	s30 =	sadd.s32 $0x2E00, s28;
	[sflag:s26] =	ssyncadd.s32 $0xFFFFE000;
	(pc) =	sbr.rel @p0 .LBB2_2-.Ltmp0, $4  }
0x78: {  	[spmem:s3] =	stream.indirect.scatter.add.f32 [tilespmem:s20], [sflag:$0x7], $0x20, s30, s16, $0xb8;
	[tilespmem:$0x16E00] =	vst v63  }
0x79: {  	_ =	swait.ge [sflag:s29], $0x2000  }
0x7a: {  	[sflag:s29] =	ssyncset.done $0x0  }
0x7b: {  	s28 =	sadd.s32 $0x2F00, s28;
	[sflag:s29] =	ssyncadd.s32 $0xFFFFE000  }
0x7c: {  	[spmem:s3] =	stream.indirect.scatter.add.f32 [tilespmem:s22], [sflag:$0x8], $0x20, s28, s16, $0xb8;
	[tilespmem:$0x16E00] =	vst v63  }
0x7d: {  	_ =	swait.ge [sflag:s31], $0x2000  }
0x7e: {  	[sflag:s31] =	ssyncset.done $0x0  }
0x7f: {  	[sflag:s31] =	ssyncadd.s32 $0xFFFFE000  }
0x80: {  	_ =	swait.ge [sflag:s1], $0x2000  }
0x81: {  	[sflag:s1] =	ssyncset.done $0x0  }
0x82: {  	[sflag:s1] =	ssyncadd.s32 $0xFFFFE000  }
0x83: {  	_ =	swait.ge [sflag:s0], $0x2000  }
0x84: {  	[sflag:s0] =	ssyncset.done $0x0  }
0x85: {  	[sflag:s0] =	ssyncadd.s32 $0xFFFFE000  }
0x86: {  	_ =	swait.ge [sflag:s19], $0x2000  }
0x87: {  	s21 =	sadd.s32 $0x1, s21;
	[sflag:s19] =	ssyncset.done $0x0  }
0x88: {  	p0 =	sne.s32 s21, s10;
	[sflag:s19] =	ssyncadd.s32 $0xFFFFE000  }
.Ltmp1:
0x89: {  	[bflag:$0x0] =	sbarrier.arrive $0xFFFF;
	(pc) =	sbr.rel @p0 .LBB2_1-.Ltmp1, $4  }
0x8a: {  	[hbm:s9], [sflag:s13] =	dma.local [spmem:s15], $0x9E0  }
0x8b: {  	_ =	swait.ge [sflag:s11], $0x9E0  }
0x8c: {  	[sflag:s11] =	ssyncset.done $0x0  }
0x8d: {  	[sflag:s11] =	ssyncadd.s32 $0xFFFFF620  }
0x8e: {  	_ =	sfence.sel $0x180000  }
0x8f: {  	[bflag:$0x0] =	sbarrier.arrive $0xFFFF  }
0x90: {  	_ =	strace $0x9000004A  }
0x91: {  	s0 =	stileid.u32;
	[bflag:$0x2] =	sbarrier.arrive $0xFFFF  }
0x92: {  	p0 =	sne.s32 s0, $0x0;
	s0 =	rddreg [dreg:$0x3]  }
0x93: {  	s0 =	sadd.s32 @!p0 $0x100000, s0  }
0x94: {  	[sflag:s0] =	ssyncadd.tile.s32 @!p0 $0x1;
	_ =	shalt  }
.Lfunc_end2:
_tile_overlayer_lowered:
.L_overlay_start_2:
0x95: {  	(tag) =	ssettag $0x2  }
0x96: {  	s0 =	rddreg [dreg:$0x0];
	s2 =	stileid.u32  }
0x97: {  	s1 =	rddreg [dreg:$0x1];
	p0 =	sne.s32 s2, $0x0  }
0x98: {  	s3 =	rddreg [dreg:$0x2];
	[bflag:$0x3] =	sbarrier.arrive $0xFFFF;
	s2 =	simm.s32 @!p0 $0x1C09  }
0x99: {  	[timem:s3], [sflag:s2] =	dma.local @!p0 [hbm:s0], s1  }
0x9a: {  	s0 =	simm.s32 @!p0 $0x9  }
0x9b: {  	_ =	swait.ge @!p0 [sflag:s0], s1  }
0x9c: {  	s1 =	ssub.s32 @!p0 $0x0, s1;
	[sflag:s0] =	ssyncset.done @!p0 $0x0  }
0x9d: {  	[sflag:s0] =	ssyncadd.s32 @!p0 s1  }
0x9e: {  	[bflag:$0x3] =	sbarrier.arrive $0xFFFF  }
0x9f: {  	_ =	shalt  }

// kernel: kernel.15.cloned.1.call-start
scs
__scs_entry_jumppad:
0x0: {  	(pc) =	sbr.rel $0x88, $3  }
0x1: {  	(tag) =	ssettag $0x0;
	lr =	simm.s32 $0x1  }
0x2: {  	[smem:$0x3F97] =	sst lr;
	_ =	strace $0xD0000000  }
0x3: {  	_ = 	snop  }
0x4: {  	_ = 	snop  }
0x5: {  	_ = 	snop  }
0x6: {  	_ = 	snop  }
0x7: {  	_ = 	snop  }
__scs_overlays_trampoline_lowered:
0x8: {  	[smem:$0x3FA6] =	sst s0  }
0x9: {  	[smem:$0x3FA7] =	sst s1  }
0xa: {  	[smem:$0x3FA8] =	sst s2  }
0xb: {  	[smem:$0x3FA9] =	sst s3  }
0xc: {  	[smem:$0x3FAA] =	sst s4  }
0xd: {  	[smem:$0x3FAB] =	sst s5  }
0xe: {  	[smem:$0x3FAC] =	sst s6  }
0xf: {  	[smem:$0x3FAD] =	sst s7  }
0x10: {  	[smem:$0x3FAE] =	sst s8  }
0x11: {  	[smem:$0x3FAF] =	sst s9;
	s0 =	simm.s32 @!p0 $0x0  }
0x12: {  	s1 =	sld [smem:$0x3F95];
	s0 =	simm.s32 @p0 $0x1  }
0x13: {  	[smem:$0x3FB0] =	sst s0;
	s0 =	simm.s32 @!p1 $0x0  }
0x14: {  	s2 =	sld [smem:$0x3F94];
	s0 =	simm.s32 @p1 $0x1  }
0x15: {  	[smem:$0x3FB1] =	sst s0;
	s0 =	simm.s32 @!p2 $0x0  }
0x16: {  	s3 =	sld [smem:$0x3FDB];
	s0 =	simm.s32 @p2 $0x1  }
0x17: {  	s4 =	simm.s32 $0x1BF5;
	[smem:$0x3FB3] =	sst s0  }
0x18: {  	s0 =	sld [smem:$0x3F96];
	_ =	swait.ge [sflag:s4], $0x0  }
0x19: {  	s7 =	sld [smem:$0x3F97]  }
0x1a: {  	s8 =	sadd.s32 $0xFFFFE003, lr  }
0x1b: {  	s9 =	sadd.s32 $0xFFFFFEF7, lr;
	s5 =	simm.s32 $0xFFFFFFFF;
	p2 =	slt.u32 s8, $0xFFFFF086  }
0x1c: {  	p1 =	slt.u32 s9, $0xF7A;
	s5 =	simm.s32 @!p2 $0x0  }
0x1d: {  	s5 =	simm.s32 @p1 $0x1;
	p0 =	seq.s32 s7, s2  }
0x1e: {  	s7 =	smul.u32 @!p0 $0xF7A, s2;
	p2 =	seq.s32 @!p0 s5, $0x0  }
0x1f: {  	s9 =	smul.u32 $0xF7A, s1;
	s8 =	simm.s32 @!p0 $0x1BF5;
	p2 =	por !p2, p0  }
0x20: {  	[sflag:s8] =	ssyncset.s32 @!p0 $0xFFFFF086;
	s6 =	sadd.s32 @!p0 s3, s7;
	s7 =	simm.s32 @!p0 $0x108  }
0x21: {  	s3 =	sadd.s32 s3, s9;
	s6 =	sadd.s32 @!p0 $0x88, s6;
	s7 =	simm.s32 @p2 $0x1082  }
0x22: {  	[simem:s7], [sflag:s8] =	dma.local @!p0 [hbm:s6], $0xF7A  }
0x23: {  	s9 =	sor.u32 $0xD0000000, s2;
	s6 =	simm.s32 $0x108;
	_ =	swait.ge @!p0 [sflag:s8], $0x0  }
0x24: {  	s3 =	sadd.s32 $0x88, s3;
	s6 =	simm.s32 @!p1 $0x1082;
	[sflag:s4] =	ssyncset.s32 $0xFFFFF086  }
0x25: {  	[simem:s6], [sflag:s4] =	dma.local [hbm:s3], $0xF7A  }
0x26: {  	[smem:$0x3F97] =	sst s1;
	(tag) =	ssettag s2;
	_ =	strace s9  }
0x27: {  	s1 =	sld [smem:$0x3FA7]  }
0x28: {  	s2 =	sld [smem:$0x3FA8]  }
0x29: {  	s4 =	sld [smem:$0x3FAA]  }
0x2a: {  	p0 =	seq.s32 s5, $0x0;
	s5 =	sld [smem:$0x3FAB]  }
0x2b: {  	s6 =	sld [smem:$0x3FAC]  }
0x2c: {  	s7 =	sld [smem:$0x3FAD]  }
0x2d: {  	s3 =	simm.s32 $0x108;
	s8 =	sld [smem:$0x3FAE]  }
0x2e: {  	s3 =	simm.s32 @!p0 $0x1082;
	s9 =	sld [smem:$0x3FAF]  }
0x2f: {  	lr =	sadd.s32 s0, s3;
	s0 =	sld [smem:$0x3FA6]  }
0x30: {  	s3 =	sld [smem:$0x3FA9]  }
0x31: {  	[smem:$0x3FB2] =	sst s10  }
0x32: {  	s10 =	sld [smem:$0x3FB0];
	_ =	sdelay $0x3  }
0x33: {  	p0 =	seq.s32 s10, $0x1;
	s10 =	sld [smem:$0x3FB2];
	_ =	sdelay $0x3  }
0x34: {  	[smem:$0x3FB2] =	sst s10  }
0x35: {  	s10 =	sld [smem:$0x3FB1];
	_ =	sdelay $0x3  }
0x36: {  	p1 =	seq.s32 s10, $0x1;
	s10 =	sld [smem:$0x3FB2];
	_ =	sdelay $0x3  }
0x37: {  	[smem:$0x3FB2] =	sst s10  }
0x38: {  	s10 =	sld [smem:$0x3FB3]  }
0x39: {  	_ = 	snop;
	(pc) =	sbr.ind lr, $3  }
0x3a: {  	_ = 	snop  }
0x3b: {  	_ = 	snop  }
0x3c: {  	p2 =	seq.s32 s10, $0x1;
	s10 =	sld [smem:$0x3FB2]  }
0x3d: {  	_ =	shalt  }
0x3e: {  	_ =	shalt  }
0x3f: {  	_ =	shalt  }
0x40: {  	_ =	shalt  }
0x41: {  	_ =	shalt  }
0x42: {  	_ =	shalt  }
0x43: {  	_ =	shalt  }
0x44: {  	_ =	shalt  }
0x45: {  	_ =	shalt  }
0x46: {  	_ =	shalt  }
0x47: {  	_ =	shalt  }
0x48: {  	_ =	shalt  }
0x49: {  	_ =	shalt  }
0x4a: {  	_ =	shalt  }
0x4b: {  	_ =	shalt  }
0x4c: {  	_ =	shalt  }
0x4d: {  	_ =	shalt  }
0x4e: {  	_ =	shalt  }
0x4f: {  	_ =	shalt  }
0x50: {  	_ =	shalt  }
0x51: {  	_ =	shalt  }
0x52: {  	_ =	shalt  }
0x53: {  	_ =	shalt  }
0x54: {  	_ =	shalt  }
0x55: {  	_ =	shalt  }
0x56: {  	_ =	shalt  }
0x57: {  	_ =	shalt  }
0x58: {  	_ =	shalt  }
0x59: {  	_ =	shalt  }
0x5a: {  	_ =	shalt  }
0x5b: {  	_ =	shalt  }
0x5c: {  	_ =	shalt  }
0x5d: {  	_ =	shalt  }
0x5e: {  	_ =	shalt  }
0x5f: {  	_ =	shalt  }
0x60: {  	_ =	shalt  }
0x61: {  	_ =	shalt  }
0x62: {  	_ =	shalt  }
0x63: {  	_ =	shalt  }
0x64: {  	_ =	shalt  }
0x65: {  	_ =	shalt  }
0x66: {  	_ =	shalt  }
0x67: {  	_ =	shalt  }
0x68: {  	_ =	shalt  }
0x69: {  	_ =	shalt  }
0x6a: {  	_ =	shalt  }
0x6b: {  	_ =	shalt  }
0x6c: {  	_ =	shalt  }
0x6d: {  	_ =	shalt  }
0x6e: {  	_ =	shalt  }
0x6f: {  	_ =	shalt  }
0x70: {  	_ =	shalt  }
0x71: {  	_ =	shalt  }
0x72: {  	_ =	shalt  }
0x73: {  	_ =	shalt  }
0x74: {  	_ =	shalt  }
0x75: {  	_ =	shalt  }
0x76: {  	_ =	shalt  }
0x77: {  	_ =	shalt  }
0x78: {  	_ =	shalt  }
0x79: {  	_ =	shalt  }
0x7a: {  	_ =	shalt  }
0x7b: {  	_ =	shalt  }
0x7c: {  	_ =	shalt  }
0x7d: {  	_ =	shalt  }
0x7e: {  	_ =	shalt  }
0x7f: {  	_ =	shalt  }
0x80: {  	_ =	shalt  }
0x81: {  	_ =	shalt  }
0x82: {  	_ =	shalt  }
0x83: {  	_ =	shalt  }
0x84: {  	_ =	shalt  }
0x85: {  	_ =	shalt  }
0x86: {  	_ =	shalt  }
0x87: {  	_ =	shalt  }
.Lfunc_end0:
.L_simem_size_0:
called_computation.2_lowered:
.L_overlay_start_0:
0x88: {  	s2 =	sld [smem:$0x3FD9]  }
0x89: {  	s3 =	sld [smem:$0x3FFE];
	_ =	sdelay $0x1  }
0x8a: {  	s1 =	srdreg.scid  }
0x8b: {  	s0 =	sand.u32 $0x1, s1  }
0x8c: {  	s16 =	sshll.u32 s0, $0xA;
	s2 =	sadd.s32 s3, s2  }
0x8d: {  	s2 =	sadd.s32 s2, s16  }
0x8e: {  	[smem:$0x3FBE] =	sst s2  }
0x8f: {  	_ = 	snop  }
0x90: {  	(tm) =	ssettm $0x1  }
0x91: {  	s17 =	sld [smem:$0x3FFB];
	_ =	sdelay $0x3  }
0x92: {  	_ =	strace s17  }
0x93: {  	s2 =	sld [smem:$0x3FFC];
	_ =	sdelay $0x3  }
0x94: {  	_ =	strace s2  }
0x95: {  	s2 =	sld [smem:$0x3FFD];
	_ =	sdelay $0x3  }
0x96: {  	_ =	strace s2  }
0x97: {  	_ =	strace $0x8FFFFFFF  }
0x98: {  	s18 =	sld [smem:$0x3FDB];
	_ =	sdelay $0x1  }
0x99: {  	s19 =	simm.s32 $_scs_section_size  }
0x9a: {  	s4 =	simm.s32 $_size__tile_overlayer_lowered;
	s5 =	simm.s32 $_tile_overlayer_lowered  }
0x9b: {  	s22 =	simm.s32 $0x1BFF;
	s21 =	sshll.u32 s5, $0x1;
	s2 =	sadd.s32 s19, s18  }
0x9c: {  	s6 =	simm.s32 $0x0;
	s20 =	sshll.u32 s4, $0x1;
	s4 =	sadd.s32 s21, s2  }
0x9d: {  	[timem:s6], [sflag:s22] =	dma.local [hbm:s4], s20  }
0x9e: {  	_ =	swait.ge [sflag:s22], s20  }
0x9f: {  	s3 =	ssub.s32 $0x0, s20;
	[sflag:s22] =	ssyncset.done $0x0  }
0xa0: {  	[sflag:s22] =	ssyncadd.s32 s3;
	_ =	sdelay $0x1  }
0xa1: {  	s23 =	simm.s32 $0x1B8B  }
0xa2: {  	_ =	swait.ge [sflag:s23], $0x1  }
0xa3: {  	[sflag:s23] =	ssyncset.done $0x0  }
0xa4: {  	s25 =	simm.s32 $0x1B8E;
	s24 =	sld [smem:$0x3FFE];
	[sflag:s23] =	ssyncadd.s32 $0xFFFFFFFF  }
0xa5: {  	s26 =	simm.s32 $execute0_lowered;
	[smem:$0x3FD2] =	sst s25  }
0xa6: {  	s4 =	sshll.u32 s26, $0x1;
	_ =	strace $0x8000004C;
	[dreg:$0x1] =	wrdreg $0xFFFFFFFF  }
0xa7: {  	s28 =	simm.s32 $_size_execute0_lowered;
	s2 =	sadd.s32 s2, s4;
	[dreg:$0x0] =	wrdreg $0x0  }
0xa8: {  	s4 =	sshll.u32 s28, $0x1;
	[dreg:$0x2] =	wrdreg s2  }
0xa9: {  	[dreg:$0x3] =	wrdreg s4  }
0xaa: {  	[dreg:$0x4] =	wrdreg $0xC0  }
0xab: {  	_ =	task [dreg:s6], $0x5FFFF  }
0xac: {  	[dreg:$0x1] =	wrdreg $0xFFFFFFFF  }
0xad: {  	[dreg:$0x0] =	wrdreg $0x60  }
0xae: {  	[dreg:$0x2] =	wrdreg s24  }
0xaf: {  	[dreg:$0x3] =	wrdreg $0x16F000  }
0xb0: {  	[dreg:$0x4] =	wrdreg $0x120000  }
0xb1: {  	[dreg:$0x5] =	wrdreg $0x9  }
0xb2: {  	_ =	task.clear_ibuf [dreg:s6], $0x6FFFF;
	_ =	strace $0x9000004C  }
0xb3: {  	s29 =	simm.s32 $0x9;
	_ =	strace $0x8000004E  }
0xb4: {  	_ =	swait.ge [sflag:s29], $0x1  }
0xb5: {  	[sflag:s29] =	ssyncadd.s32 $0xFFFFFFFF  }
0xb6: {  	_ =	strace $0x9000004E  }
0xb7: {  	_ =	sfence  }
0xb8: {  	s30 =	sld [smem:$0x0];
	_ =	sdelay $0x2  }
0xb9: {  	s31 =	sshll.u32 s1, $0xD;
	s1 =	sshrl.u32 s1, $0x2  }
0xba: {  	s3 =	sand.u32 $0x4000, s31;
	s1 =	sadd.s32 s1, s30  }
0xbb: {  	s0 =	sor.u32 s3, s0;
	s1 =	sshll.u32 s1, $0x11  }
0xbc: {  	s0 =	sor.u32 s1, s0  }
0xbd: {  	s0 =	sadd.s32 $0x8F2B, s0  }
0xbe: {  	[sflag:s0] =	ssyncadd.remote.s32 $0x1  }
0xbf: {  	_ =	sfence.sel $0xFFFF  }
0xc0: {  	[dreg:$0x0] =	wrdreg $0xFFFFFFFF;
	(pc) =	sbr.abs _section_cstart, $3  }
0xc1: {  	[dreg:$0x1] =	wrdreg $0xFFFFFFFF  }
0xc2: {  	_ =	task.clear_ibuf [dreg:s6], $0x2FFFF;
	_ =	strace $0x9FFFFFFF  }
0xc3: {  	(tm) =	ssettm $0x7FFFFFFF  }
tec
execute0_lowered:
.L_overlay_start_1:
0x0: {  	(tag) =	ssettag $0x1  }
0x1: {  	s0 =	rddreg [dreg:$0x0]  }
0x2: {  	s2 =	rddreg [dreg:$0x1]  }
0x3: {  	s11 =	stileid.u32;
	s1 =	srdreg.scid  }
0x4: {  	s3 =	rddreg [dreg:$0x2];
	s4 =	simm.s32 $0x0;
	s15 =	simm.s32 $0x100  }
0x5: {  	s16 =	simm.s32 $0xA000;
	s17 =	simm.s32 $0xC000;
	s19 =	simm.s32 $0xE000  }
0x6: {  	s21 =	simm.s32 $0x10000;
	s22 =	simm.s32 $0x1;
	s23 =	simm.s32 $0x2  }
0x7: {  	s28 =	simm.s32 $0x4;
	s29 =	simm.s32 $0x5300;
	s30 =	simm.s32 $0x5  }
0x8: {  	s31 =	simm.s32 $0x6;
	s18 =	simm.s32 $0x0;
	s7 =	smul.u32 $0x4F00, s11  }
0x9: {  	s1 =	sand.u32 $0x1, s1;
	[smem:$0x7FF] =	sst s4;
	s6 =	smul.u32 $0xA00, s11  }
0xa: {  	s26 =	sshll.u32 s11, $0x6;
	s11 =	simm.s32 $0x5000;
	s5 =	smul.u32 $0x4F000, s1  }
0xb: {  	_ =	strace $0x8000004D;
	s8 =	ssub.s32 $0x2, s1;
	p0 =	seq.s32 s1, $0x0  }
0xc: {  	s1 =	simm.s32 $0x27600;
	s12 =	sor.u32 $0x1C09, s26;
	s6 =	sadd.s32 s6, s0  }
0xd: {  	s9 =	sshrl.u32 s8, $0x1;
	s13 =	sadd.s32 s7, s2;
	s25 =	sshrl.u32 s7, $0x3  }
0xe: {  	s1 =	simm.s32 @!p0 $0x1D800;
	s14 =	sadd.s32 s7, s3;
	s5 =	sadd.s32 s7, s5  }
0xf: {  	s8 =	ssub.s32 s8, s9;
	s13 =	sshrl.u32 s13, $0x3;
	s5 =	sshrl.u32 s5, $0x3  }
0x10: {  	s14 =	sshrl.u32 s14, $0x3;
	s8 =	smax.u32 s8, $0x1;
	s10 =	sadd.s32 s5, s0  }
0x11: {  	s5 =	sadd.s32 $0x13800, s6;
	s6 =	sadd.s32 $0x2000, s6;
	s0 =	sadd.s32 s1, s0  }
0x12: {  	s1 =	simm.s32 $0x7;
	s7 =	sadd.s32 $0x31400, s10;
	s9 =	sadd.s32 s0, s25  }
0x13: {  	s10 =	simm.s32 $0x9;
	s25 =	simm.s32 $0x3;
	s0 =	simm.s32 $0x8  }
.LBB2_1:
0x14: {  	[tilespmem:s4], [sflag:$0x9] =	stream.linear.gather [hbm4b:s5+s4], $0x5000, $0x38;
	[tilespmem:$0x1BE00] =	vst v63  }
0x15: {  	_ =	swait.ge [sflag:s10], $0x5000  }
0x16: {  	[sflag:s10] =	ssyncset.done $0x0  }
0x17: {  	[sflag:s10] =	ssyncadd.s32 $0xFFFFB000  }
0x18: {  	[tilespmem:s11], [sflag:$0x9] =	stream.linear.gather [hbm4b:s6+s4], $0x5000, $0x38;
	[tilespmem:$0x1BE00] =	vst v63  }
0x19: {  	_ =	swait.ge [sflag:s10], $0x5000  }
0x1a: {  	[sflag:s10] =	ssyncset.done $0x0  }
0x1b: {  	[sflag:s10] =	ssyncadd.s32 $0xFFFFB000  }
0x1c: {  	[spmem:s13], [sflag:s12] =	dma.local [hbm:s9], $0x9E0  }
0x1d: {  	_ =	swait.ge [sflag:s10], $0x9E0  }
0x1e: {  	[sflag:s10] =	ssyncset.done $0x0  }
0x1f: {  	[sflag:s10] =	ssyncadd.s32 $0xFFFFF620  }
0x20: {  	[spmem:s14], [sflag:s12] =	dma.local [hbm:s9], $0x9E0  }
0x21: {  	_ =	swait.ge [sflag:s10], $0x9E0  }
0x22: {  	[sflag:s10] =	ssyncset.done $0x0  }
0x23: {  	[sflag:s10] =	ssyncadd.s32 $0xFFFFF620  }
0x24: {  	[bflag:$0x0] =	sbarrier.arrive $0xFFFF  }
0x25: {  	[tilespmem:s16], [sflag:$0x1] =	stream.indirect.gather [spmem:s2], $0x20, s4, s15, $0xb8;
	[tilespmem:$0x1BE00] =	vst v63  }
0x26: {  	_ = 	snop  }
0x27: {  	[tilespmem:s17], [sflag:$0x2] =	stream.indirect.gather [spmem:s2], $0x20, s15, s15, $0xb8;
	[tilespmem:$0x1BE00] =	vst v63  }
0x28: {  	s20 =	simm.s32 $0x200  }
0x29: {  	[tilespmem:s19], [sflag:$0x3] =	stream.indirect.gather [spmem:s2], $0x20, s20, s15, $0xb8;
	[tilespmem:$0x1BE00] =	vst v63  }
0x2a: {  	s24 =	simm.s32 $0x300  }
0x2b: {  	[tilespmem:s21], [sflag:$0x4] =	stream.indirect.gather [spmem:s2], $0x20, s24, s15, $0xb8;
	[tilespmem:$0x1BE00] =	vst v63  }
0x2c: {  	_ =	swait.ge [sflag:s22], $0x2000  }
0x2d: {  	[sflag:s22] =	ssyncset.done $0x0  }
0x2e: {  	[sflag:s22] =	ssyncadd.s32 $0xFFFFE000  }
0x2f: {  	[spmem:s3] =	stream.indirect.scatter.add.f32 [tilespmem:s16], [sflag:$0x5], $0x20, s11, s15, $0xb8;
	[tilespmem:$0x1BE00] =	vst v63  }
0x30: {  	_ =	swait.ge [sflag:s23], $0x2000  }
0x31: {  	[sflag:s23] =	ssyncset.done $0x0  }
0x32: {  	s26 =	simm.s32 $0x5100;
	[sflag:s23] =	ssyncadd.s32 $0xFFFFE000  }
0x33: {  	[spmem:s3] =	stream.indirect.scatter.add.f32 [tilespmem:s17], [sflag:$0x6], $0x20, s26, s15, $0xb8;
	[tilespmem:$0x1BE00] =	vst v63  }
0x34: {  	_ =	swait.ge [sflag:s25], $0x2000  }
0x35: {  	[sflag:s25] =	ssyncset.done $0x0  }
0x36: {  	s24 =	simm.s32 $0x5200;
	[sflag:s25] =	ssyncadd.s32 $0xFFFFE000  }
0x37: {  	[spmem:s3] =	stream.indirect.scatter.add.f32 [tilespmem:s19], [sflag:$0x7], $0x20, s24, s15, $0xb8;
	[tilespmem:$0x1BE00] =	vst v63  }
0x38: {  	_ =	swait.ge [sflag:s28], $0x2000  }
0x39: {  	[sflag:s28] =	ssyncset.done $0x0  }
0x3a: {  	[sflag:s28] =	ssyncadd.s32 $0xFFFFE000  }
0x3b: {  	[spmem:s3] =	stream.indirect.scatter.add.f32 [tilespmem:s21], [sflag:$0x8], $0x20, s29, s15, $0xb8;
	[tilespmem:$0x1BE00] =	vst v63  }
0x3c: {  	_ =	swait.ge [sflag:s30], $0x2000  }
0x3d: {  	[sflag:s30] =	ssyncset.done $0x0  }
0x3e: {  	s26 =	simm.s32 $0x400;
	[sflag:s30] =	ssyncadd.s32 $0xFFFFE000  }
0x3f: {  	[tilespmem:s16], [sflag:$0x1] =	stream.indirect.gather [spmem:s2], $0x20, s26, s15, $0xb8;
	[tilespmem:$0x1BE00] =	vst v63  }
0x40: {  	_ =	swait.ge [sflag:s31], $0x2000  }
0x41: {  	[sflag:s31] =	ssyncset.done $0x0  }
0x42: {  	s24 =	simm.s32 $0x500;
	[sflag:s31] =	ssyncadd.s32 $0xFFFFE000  }
0x43: {  	[tilespmem:s17], [sflag:$0x2] =	stream.indirect.gather [spmem:s2], $0x20, s24, s15, $0xb8;
	[tilespmem:$0x1BE00] =	vst v63  }
0x44: {  	_ =	swait.ge [sflag:s1], $0x2000  }
0x45: {  	[sflag:s1] =	ssyncset.done $0x0  }
0x46: {  	s26 =	simm.s32 $0x600;
	[sflag:s1] =	ssyncadd.s32 $0xFFFFE000  }
0x47: {  	[tilespmem:s19], [sflag:$0x3] =	stream.indirect.gather [spmem:s2], $0x20, s26, s15, $0xb8;
	[tilespmem:$0x1BE00] =	vst v63  }
0x48: {  	_ =	swait.ge [sflag:s0], $0x2000  }
0x49: {  	[sflag:s0] =	ssyncset.done $0x0  }
0x4a: {  	s24 =	simm.s32 $0x700;
	[sflag:s0] =	ssyncadd.s32 $0xFFFFE000  }
0x4b: {  	[tilespmem:s21], [sflag:$0x4] =	stream.indirect.gather [spmem:s2], $0x20, s24, s15, $0xb8;
	[tilespmem:$0x1BE00] =	vst v63  }
0x4c: {  	_ =	swait.ge [sflag:s22], $0x2000  }
0x4d: {  	[sflag:s22] =	ssyncset.done $0x0  }
0x4e: {  	s26 =	simm.s32 $0x5400;
	[sflag:s22] =	ssyncadd.s32 $0xFFFFE000  }
0x4f: {  	[spmem:s3] =	stream.indirect.scatter.add.f32 [tilespmem:s16], [sflag:$0x5], $0x20, s26, s15, $0xb8;
	[tilespmem:$0x1BE00] =	vst v63  }
0x50: {  	_ =	swait.ge [sflag:s23], $0x2000  }
0x51: {  	[sflag:s23] =	ssyncset.done $0x0  }
0x52: {  	s24 =	simm.s32 $0x5500;
	[sflag:s23] =	ssyncadd.s32 $0xFFFFE000  }
0x53: {  	[spmem:s3] =	stream.indirect.scatter.add.f32 [tilespmem:s17], [sflag:$0x6], $0x20, s24, s15, $0xb8;
	[tilespmem:$0x1BE00] =	vst v63  }
0x54: {  	_ =	swait.ge [sflag:s25], $0x2000  }
0x55: {  	[sflag:s25] =	ssyncset.done $0x0  }
0x56: {  	s26 =	simm.s32 $0x5600;
	[sflag:s25] =	ssyncadd.s32 $0xFFFFE000  }
0x57: {  	[spmem:s3] =	stream.indirect.scatter.add.f32 [tilespmem:s19], [sflag:$0x7], $0x20, s26, s15, $0xb8;
	[tilespmem:$0x1BE00] =	vst v63  }
0x58: {  	_ =	swait.ge [sflag:s28], $0x2000  }
0x59: {  	[sflag:s28] =	ssyncset.done $0x0  }
0x5a: {  	s20 =	simm.s32 $0x1000;
	s24 =	simm.s32 $0x5700;
	[sflag:s28] =	ssyncadd.s32 $0xFFFFE000  }
.LBB2_2:
0x5b: {  	[spmem:s3] =	stream.indirect.scatter.add.f32 [tilespmem:s21], [sflag:$0x8], $0x20, s24, s15, $0xb8;
	[tilespmem:$0x1BE00] =	vst v63  }
0x5c: {  	s24 =	smov.u32 s20  }
0x5d: {  	p0 =	sne.s32 s20, $0x12000;
	s20 =	sadd.s32 $0x1000, s20;
	_ =	swait.ge [sflag:s30], $0x2000  }
0x5e: {  	s24 =	sshra.s32 s24, $0x2;
	[sflag:s30] =	ssyncset.done $0x0  }
0x5f: {  	s26 =	sadd.s32 $0x400, s24;
	[sflag:s30] =	ssyncadd.s32 $0xFFFFE000  }
0x60: {  	[tilespmem:s16], [sflag:$0x1] =	stream.indirect.gather [spmem:s2], $0x20, s26, s15, $0xb8;
	[tilespmem:$0x1BE00] =	vst v63  }
0x61: {  	_ =	swait.ge [sflag:s31], $0x2000  }
0x62: {  	[sflag:s31] =	ssyncset.done $0x0  }
0x63: {  	s26 =	sadd.s32 $0x500, s24;
	[sflag:s31] =	ssyncadd.s32 $0xFFFFE000  }
0x64: {  	[tilespmem:s17], [sflag:$0x2] =	stream.indirect.gather [spmem:s2], $0x20, s26, s15, $0xb8;
	[tilespmem:$0x1BE00] =	vst v63  }
0x65: {  	_ =	swait.ge [sflag:s1], $0x2000  }
0x66: {  	[sflag:s1] =	ssyncset.done $0x0  }
0x67: {  	s26 =	sadd.s32 $0x600, s24;
	[sflag:s1] =	ssyncadd.s32 $0xFFFFE000  }
0x68: {  	[tilespmem:s19], [sflag:$0x3] =	stream.indirect.gather [spmem:s2], $0x20, s26, s15, $0xb8;
	[tilespmem:$0x1BE00] =	vst v63  }
0x69: {  	_ =	swait.ge [sflag:s0], $0x2000  }
0x6a: {  	[sflag:s0] =	ssyncset.done $0x0  }
0x6b: {  	s26 =	sadd.s32 $0x700, s24;
	[sflag:s0] =	ssyncadd.s32 $0xFFFFE000  }
0x6c: {  	[tilespmem:s21], [sflag:$0x4] =	stream.indirect.gather [spmem:s2], $0x20, s26, s15, $0xb8;
	[tilespmem:$0x1BE00] =	vst v63  }
0x6d: {  	_ =	swait.ge [sflag:s22], $0x2000  }
0x6e: {  	[sflag:s22] =	ssyncset.done $0x0  }
0x6f: {  	s26 =	sadd.s32 $0x5400, s24;
	[sflag:s22] =	ssyncadd.s32 $0xFFFFE000  }
0x70: {  	[spmem:s3] =	stream.indirect.scatter.add.f32 [tilespmem:s16], [sflag:$0x5], $0x20, s26, s15, $0xb8;
	[tilespmem:$0x1BE00] =	vst v63  }
0x71: {  	_ =	swait.ge [sflag:s23], $0x2000  }
0x72: {  	[sflag:s23] =	ssyncset.done $0x0  }
0x73: {  	s26 =	sadd.s32 $0x5500, s24;
	[sflag:s23] =	ssyncadd.s32 $0xFFFFE000  }
0x74: {  	[spmem:s3] =	stream.indirect.scatter.add.f32 [tilespmem:s17], [sflag:$0x6], $0x20, s26, s15, $0xb8;
	[tilespmem:$0x1BE00] =	vst v63  }
0x75: {  	_ =	swait.ge [sflag:s25], $0x2000  }
0x76: {  	[sflag:s25] =	ssyncset.done $0x0  }
.Ltmp0:
0x77: {  	s26 =	sadd.s32 $0x5600, s24;
	[sflag:s25] =	ssyncadd.s32 $0xFFFFE000;
	(pc) =	sbr.rel @p0 .LBB2_2-.Ltmp0, $4  }
0x78: {  	[spmem:s3] =	stream.indirect.scatter.add.f32 [tilespmem:s19], [sflag:$0x7], $0x20, s26, s15, $0xb8;
	[tilespmem:$0x1BE00] =	vst v63  }
0x79: {  	_ =	swait.ge [sflag:s28], $0x2000  }
0x7a: {  	[sflag:s28] =	ssyncset.done $0x0  }
0x7b: {  	s24 =	sadd.s32 $0x5700, s24;
	[sflag:s28] =	ssyncadd.s32 $0xFFFFE000  }
0x7c: {  	[spmem:s3] =	stream.indirect.scatter.add.f32 [tilespmem:s21], [sflag:$0x8], $0x20, s24, s15, $0xb8;
	[tilespmem:$0x1BE00] =	vst v63  }
0x7d: {  	_ =	swait.ge [sflag:s30], $0x2000  }
0x7e: {  	[sflag:s30] =	ssyncset.done $0x0  }
0x7f: {  	[sflag:s30] =	ssyncadd.s32 $0xFFFFE000  }
0x80: {  	_ =	swait.ge [sflag:s31], $0x2000  }
0x81: {  	[sflag:s31] =	ssyncset.done $0x0  }
0x82: {  	[sflag:s31] =	ssyncadd.s32 $0xFFFFE000  }
0x83: {  	_ =	swait.ge [sflag:s1], $0x2000  }
0x84: {  	[sflag:s1] =	ssyncset.done $0x0  }
0x85: {  	[sflag:s1] =	ssyncadd.s32 $0xFFFFE000  }
0x86: {  	_ =	swait.ge [sflag:s0], $0x2000  }
0x87: {  	s18 =	sadd.s32 $0x1, s18;
	[sflag:s0] =	ssyncset.done $0x0  }
0x88: {  	p0 =	sne.s32 s18, s8;
	[sflag:s0] =	ssyncadd.s32 $0xFFFFE000  }
.Ltmp1:
0x89: {  	[bflag:$0x0] =	sbarrier.arrive $0xFFFF;
	(pc) =	sbr.rel @p0 .LBB2_1-.Ltmp1, $4  }
0x8a: {  	[hbm:s7], [sflag:s12] =	dma.local [spmem:s14], $0x9E0  }
0x8b: {  	_ =	swait.ge [sflag:s10], $0x9E0  }
0x8c: {  	[sflag:s10] =	ssyncset.done $0x0  }
0x8d: {  	[sflag:s10] =	ssyncadd.s32 $0xFFFFF620  }
0x8e: {  	_ =	sfence.sel $0x180000  }
0x8f: {  	[bflag:$0x0] =	sbarrier.arrive $0xFFFF  }
0x90: {  	_ =	strace $0x9000004D  }
0x91: {  	s0 =	stileid.u32;
	[bflag:$0x2] =	sbarrier.arrive $0xFFFF  }
0x92: {  	p0 =	sne.s32 s0, $0x0;
	s0 =	rddreg [dreg:$0x3]  }
0x93: {  	s0 =	sadd.s32 @!p0 $0x100000, s0  }
0x94: {  	[sflag:s0] =	ssyncadd.tile.s32 @!p0 $0x1;
	_ =	shalt  }
.Lfunc_end2:
_tile_overlayer_lowered:
.L_overlay_start_2:
0x95: {  	(tag) =	ssettag $0x2  }
0x96: {  	s0 =	rddreg [dreg:$0x0];
	s2 =	stileid.u32  }
0x97: {  	s1 =	rddreg [dreg:$0x1];
	p0 =	sne.s32 s2, $0x0  }
0x98: {  	s3 =	rddreg [dreg:$0x2];
	[bflag:$0x3] =	sbarrier.arrive $0xFFFF;
	s2 =	simm.s32 @!p0 $0x1C09  }
0x99: {  	[timem:s3], [sflag:s2] =	dma.local @!p0 [hbm:s0], s1  }
0x9a: {  	s0 =	simm.s32 @!p0 $0x9  }
0x9b: {  	_ =	swait.ge @!p0 [sflag:s0], s1  }
0x9c: {  	s1 =	ssub.s32 @!p0 $0x0, s1;
	[sflag:s0] =	ssyncset.done @!p0 $0x0  }
0x9d: {  	[sflag:s0] =	ssyncadd.s32 @!p0 s1  }
0x9e: {  	[bflag:$0x3] =	sbarrier.arrive $0xFFFF  }
0x9f: {  	_ =	shalt  }

// kernel: kernel.9.cloned.1.call-start
scs
__scs_entry_jumppad:
0x0: {  	(pc) =	sbr.rel $0x88, $3  }
0x1: {  	(tag) =	ssettag $0x0;
	lr =	simm.s32 $0x1  }
0x2: {  	[smem:$0x3F97] =	sst lr;
	_ =	strace $0xD0000000  }
0x3: {  	_ = 	snop  }
0x4: {  	_ = 	snop  }
0x5: {  	_ = 	snop  }
0x6: {  	_ = 	snop  }
0x7: {  	_ = 	snop  }
__scs_overlays_trampoline_lowered:
0x8: {  	[smem:$0x3FA6] =	sst s0  }
0x9: {  	[smem:$0x3FA7] =	sst s1  }
0xa: {  	[smem:$0x3FA8] =	sst s2  }
0xb: {  	[smem:$0x3FA9] =	sst s3  }
0xc: {  	[smem:$0x3FAA] =	sst s4  }
0xd: {  	[smem:$0x3FAB] =	sst s5  }
0xe: {  	[smem:$0x3FAC] =	sst s6  }
0xf: {  	[smem:$0x3FAD] =	sst s7  }
0x10: {  	[smem:$0x3FAE] =	sst s8  }
0x11: {  	[smem:$0x3FAF] =	sst s9;
	s0 =	simm.s32 @!p0 $0x0  }
0x12: {  	s1 =	sld [smem:$0x3F95];
	s0 =	simm.s32 @p0 $0x1  }
0x13: {  	[smem:$0x3FB0] =	sst s0;
	s0 =	simm.s32 @!p1 $0x0  }
0x14: {  	s2 =	sld [smem:$0x3F94];
	s0 =	simm.s32 @p1 $0x1  }
0x15: {  	[smem:$0x3FB1] =	sst s0;
	s0 =	simm.s32 @!p2 $0x0  }
0x16: {  	s3 =	sld [smem:$0x3FDB];
	s0 =	simm.s32 @p2 $0x1  }
0x17: {  	s4 =	simm.s32 $0x1BF5;
	[smem:$0x3FB3] =	sst s0  }
0x18: {  	s0 =	sld [smem:$0x3F96];
	_ =	swait.ge [sflag:s4], $0x0  }
0x19: {  	s7 =	sld [smem:$0x3F97]  }
0x1a: {  	s8 =	sadd.s32 $0xFFFFE003, lr  }
0x1b: {  	s9 =	sadd.s32 $0xFFFFFEF7, lr;
	s5 =	simm.s32 $0xFFFFFFFF;
	p2 =	slt.u32 s8, $0xFFFFF086  }
0x1c: {  	p1 =	slt.u32 s9, $0xF7A;
	s5 =	simm.s32 @!p2 $0x0  }
0x1d: {  	s5 =	simm.s32 @p1 $0x1;
	p0 =	seq.s32 s7, s2  }
0x1e: {  	s7 =	smul.u32 @!p0 $0xF7A, s2;
	p2 =	seq.s32 @!p0 s5, $0x0  }
0x1f: {  	s9 =	smul.u32 $0xF7A, s1;
	s8 =	simm.s32 @!p0 $0x1BF5;
	p2 =	por !p2, p0  }
0x20: {  	[sflag:s8] =	ssyncset.s32 @!p0 $0xFFFFF086;
	s6 =	sadd.s32 @!p0 s3, s7;
	s7 =	simm.s32 @!p0 $0x108  }
0x21: {  	s3 =	sadd.s32 s3, s9;
	s6 =	sadd.s32 @!p0 $0x88, s6;
	s7 =	simm.s32 @p2 $0x1082  }
0x22: {  	[simem:s7], [sflag:s8] =	dma.local @!p0 [hbm:s6], $0xF7A  }
0x23: {  	s9 =	sor.u32 $0xD0000000, s2;
	s6 =	simm.s32 $0x108;
	_ =	swait.ge @!p0 [sflag:s8], $0x0  }
0x24: {  	s3 =	sadd.s32 $0x88, s3;
	s6 =	simm.s32 @!p1 $0x1082;
	[sflag:s4] =	ssyncset.s32 $0xFFFFF086  }
0x25: {  	[simem:s6], [sflag:s4] =	dma.local [hbm:s3], $0xF7A  }
0x26: {  	[smem:$0x3F97] =	sst s1;
	(tag) =	ssettag s2;
	_ =	strace s9  }
0x27: {  	s1 =	sld [smem:$0x3FA7]  }
0x28: {  	s2 =	sld [smem:$0x3FA8]  }
0x29: {  	s4 =	sld [smem:$0x3FAA]  }
0x2a: {  	p0 =	seq.s32 s5, $0x0;
	s5 =	sld [smem:$0x3FAB]  }
0x2b: {  	s6 =	sld [smem:$0x3FAC]  }
0x2c: {  	s7 =	sld [smem:$0x3FAD]  }
0x2d: {  	s3 =	simm.s32 $0x108;
	s8 =	sld [smem:$0x3FAE]  }
0x2e: {  	s3 =	simm.s32 @!p0 $0x1082;
	s9 =	sld [smem:$0x3FAF]  }
0x2f: {  	lr =	sadd.s32 s0, s3;
	s0 =	sld [smem:$0x3FA6]  }
0x30: {  	s3 =	sld [smem:$0x3FA9]  }
0x31: {  	[smem:$0x3FB2] =	sst s10  }
0x32: {  	s10 =	sld [smem:$0x3FB0];
	_ =	sdelay $0x3  }
0x33: {  	p0 =	seq.s32 s10, $0x1;
	s10 =	sld [smem:$0x3FB2];
	_ =	sdelay $0x3  }
0x34: {  	[smem:$0x3FB2] =	sst s10  }
0x35: {  	s10 =	sld [smem:$0x3FB1];
	_ =	sdelay $0x3  }
0x36: {  	p1 =	seq.s32 s10, $0x1;
	s10 =	sld [smem:$0x3FB2];
	_ =	sdelay $0x3  }
0x37: {  	[smem:$0x3FB2] =	sst s10  }
0x38: {  	s10 =	sld [smem:$0x3FB3]  }
0x39: {  	_ = 	snop;
	(pc) =	sbr.ind lr, $3  }
0x3a: {  	_ = 	snop  }
0x3b: {  	_ = 	snop  }
0x3c: {  	p2 =	seq.s32 s10, $0x1;
	s10 =	sld [smem:$0x3FB2]  }
0x3d: {  	_ =	shalt  }
0x3e: {  	_ =	shalt  }
0x3f: {  	_ =	shalt  }
0x40: {  	_ =	shalt  }
0x41: {  	_ =	shalt  }
0x42: {  	_ =	shalt  }
0x43: {  	_ =	shalt  }
0x44: {  	_ =	shalt  }
0x45: {  	_ =	shalt  }
0x46: {  	_ =	shalt  }
0x47: {  	_ =	shalt  }
0x48: {  	_ =	shalt  }
0x49: {  	_ =	shalt  }
0x4a: {  	_ =	shalt  }
0x4b: {  	_ =	shalt  }
0x4c: {  	_ =	shalt  }
0x4d: {  	_ =	shalt  }
0x4e: {  	_ =	shalt  }
0x4f: {  	_ =	shalt  }
0x50: {  	_ =	shalt  }
0x51: {  	_ =	shalt  }
0x52: {  	_ =	shalt  }
0x53: {  	_ =	shalt  }
0x54: {  	_ =	shalt  }
0x55: {  	_ =	shalt  }
0x56: {  	_ =	shalt  }
0x57: {  	_ =	shalt  }
0x58: {  	_ =	shalt  }
0x59: {  	_ =	shalt  }
0x5a: {  	_ =	shalt  }
0x5b: {  	_ =	shalt  }
0x5c: {  	_ =	shalt  }
0x5d: {  	_ =	shalt  }
0x5e: {  	_ =	shalt  }
0x5f: {  	_ =	shalt  }
0x60: {  	_ =	shalt  }
0x61: {  	_ =	shalt  }
0x62: {  	_ =	shalt  }
0x63: {  	_ =	shalt  }
0x64: {  	_ =	shalt  }
0x65: {  	_ =	shalt  }
0x66: {  	_ =	shalt  }
0x67: {  	_ =	shalt  }
0x68: {  	_ =	shalt  }
0x69: {  	_ =	shalt  }
0x6a: {  	_ =	shalt  }
0x6b: {  	_ =	shalt  }
0x6c: {  	_ =	shalt  }
0x6d: {  	_ =	shalt  }
0x6e: {  	_ =	shalt  }
0x6f: {  	_ =	shalt  }
0x70: {  	_ =	shalt  }
0x71: {  	_ =	shalt  }
0x72: {  	_ =	shalt  }
0x73: {  	_ =	shalt  }
0x74: {  	_ =	shalt  }
0x75: {  	_ =	shalt  }
0x76: {  	_ =	shalt  }
0x77: {  	_ =	shalt  }
0x78: {  	_ =	shalt  }
0x79: {  	_ =	shalt  }
0x7a: {  	_ =	shalt  }
0x7b: {  	_ =	shalt  }
0x7c: {  	_ =	shalt  }
0x7d: {  	_ =	shalt  }
0x7e: {  	_ =	shalt  }
0x7f: {  	_ =	shalt  }
0x80: {  	_ =	shalt  }
0x81: {  	_ =	shalt  }
0x82: {  	_ =	shalt  }
0x83: {  	_ =	shalt  }
0x84: {  	_ =	shalt  }
0x85: {  	_ =	shalt  }
0x86: {  	_ =	shalt  }
0x87: {  	_ =	shalt  }
.Lfunc_end0:
.L_simem_size_0:
called_computation_lowered:
.L_overlay_start_0:
0x88: {  	s2 =	sld [smem:$0x3FD9]  }
0x89: {  	s3 =	sld [smem:$0x3FFE];
	_ =	sdelay $0x1  }
0x8a: {  	s1 =	srdreg.scid  }
0x8b: {  	s0 =	sand.u32 $0x1, s1  }
0x8c: {  	s17 =	sshll.u32 s0, $0xA;
	s2 =	sadd.s32 s3, s2  }
0x8d: {  	s2 =	sadd.s32 s2, s17  }
0x8e: {  	[smem:$0x3FBE] =	sst s2  }
0x8f: {  	_ = 	snop  }
0x90: {  	s2 =	sld [smem:$0x3FD0];
	(tm) =	ssettm $0x1  }
0x91: {  	s18 =	sld [smem:$0x3FFB];
	_ =	sdelay $0x3  }
0x92: {  	_ =	strace s18  }
0x93: {  	s3 =	sld [smem:$0x3FFC];
	_ =	sdelay $0x3  }
0x94: {  	_ =	strace s3  }
0x95: {  	s3 =	sld [smem:$0x3FFD];
	_ =	sdelay $0x3  }
0x96: {  	_ =	strace s3  }
0x97: {  	_ =	strace $0x8FFFFFFF  }
0x98: {  	s19 =	sld [smem:$0x3FDB];
	_ =	sdelay $0x1  }
0x99: {  	s4 =	simm.s32 $_scs_section_size  }
0x9a: {  	s5 =	simm.s32 $_size__tile_overlayer_lowered;
	s6 =	simm.s32 $_tile_overlayer_lowered  }
0x9b: {  	s22 =	simm.s32 $0x1BFF;
	s21 =	sshll.u32 s6, $0x1;
	s3 =	sadd.s32 s4, s19  }
0x9c: {  	s7 =	simm.s32 $0x0;
	s20 =	sshll.u32 s5, $0x1;
	s5 =	sadd.s32 s21, s3  }
0x9d: {  	[timem:s7], [sflag:s22] =	dma.local [hbm:s5], s20  }
0x9e: {  	_ =	swait.ge [sflag:s22], s20  }
0x9f: {  	s4 =	ssub.s32 $0x0, s20;
	[sflag:s22] =	ssyncset.done $0x0  }
0xa0: {  	[sflag:s22] =	ssyncadd.s32 s4;
	_ =	sdelay $0x1  }
0xa1: {  	s23 =	simm.s32 $0x1B8B  }
0xa2: {  	_ =	swait.ge [sflag:s23], $0x1  }
0xa3: {  	[sflag:s23] =	ssyncset.done $0x0  }
0xa4: {  	s25 =	simm.s32 $0x1B8E;
	s24 =	sld [smem:$0x3FFE];
	[sflag:s23] =	ssyncadd.s32 $0xFFFFFFFF  }
0xa5: {  	s26 =	simm.s32 $execute0_lowered;
	[smem:$0x3FD2] =	sst s25  }
0xa6: {  	s5 =	sshll.u32 s26, $0x1;
	_ =	strace $0x80000046;
	[dreg:$0x1] =	wrdreg $0xFFFFFFFF  }
0xa7: {  	s28 =	simm.s32 $_size_execute0_lowered;
	s3 =	sadd.s32 s3, s5;
	[dreg:$0x0] =	wrdreg $0x0  }
0xa8: {  	s5 =	sshll.u32 s28, $0x1;
	[dreg:$0x2] =	wrdreg s3  }
0xa9: {  	[dreg:$0x3] =	wrdreg s5  }
0xaa: {  	[dreg:$0x4] =	wrdreg $0xC0  }
0xab: {  	_ =	task [dreg:s7], $0x5FFFF  }
0xac: {  	[dreg:$0x1] =	wrdreg $0xFFFFFFFF  }
0xad: {  	[dreg:$0x0] =	wrdreg $0x60  }
0xae: {  	[dreg:$0x2] =	wrdreg s24  }
0xaf: {  	[dreg:$0x3] =	wrdreg s2  }
0xb0: {  	[dreg:$0x4] =	wrdreg $0x30000  }
0xb1: {  	[dreg:$0x5] =	wrdreg $0x9  }
0xb2: {  	_ =	task.clear_ibuf [dreg:s7], $0x6FFFF;
	_ =	strace $0x90000046  }
0xb3: {  	s29 =	simm.s32 $0x9;
	_ =	strace $0x80000048  }
0xb4: {  	_ =	swait.ge [sflag:s29], $0x1  }
0xb5: {  	[sflag:s29] =	ssyncadd.s32 $0xFFFFFFFF  }
0xb6: {  	_ =	strace $0x90000048  }
0xb7: {  	_ =	sfence  }
0xb8: {  	s30 =	sld [smem:$0x0];
	_ =	sdelay $0x2  }
0xb9: {  	s31 =	sshll.u32 s1, $0xD;
	s1 =	sshrl.u32 s1, $0x2  }
0xba: {  	s3 =	sand.u32 $0x4000, s31;
	s1 =	sadd.s32 s1, s30  }
0xbb: {  	s0 =	sor.u32 s3, s0;
	s1 =	sshll.u32 s1, $0x11  }
0xbc: {  	s0 =	sor.u32 s1, s0  }
0xbd: {  	s0 =	sadd.s32 $0x8F2B, s0  }
0xbe: {  	[sflag:s0] =	ssyncadd.remote.s32 $0x1  }
0xbf: {  	_ =	sfence.sel $0xFFFF  }
0xc0: {  	[dreg:$0x0] =	wrdreg $0xFFFFFFFF;
	(pc) =	sbr.abs _section_cstart, $3  }
0xc1: {  	[dreg:$0x1] =	wrdreg $0xFFFFFFFF  }
0xc2: {  	_ =	task.clear_ibuf [dreg:s7], $0x2FFFF;
	_ =	strace $0x9FFFFFFF  }
0xc3: {  	(tm) =	ssettm $0x7FFFFFFF  }
tec
execute0_lowered:
.L_overlay_start_1:
0x0: {  	(tag) =	ssettag $0x1  }
0x1: {  	s5 =	rddreg [dreg:$0x0]  }
0x2: {  	s1 =	srdreg.scid;
	s2 =	rddreg [dreg:$0x1]  }
0x3: {  	s0 =	stileid.u32;
	s3 =	rddreg [dreg:$0x2];
	s4 =	simm.s32 $0x0  }
0x4: {  	s13 =	simm.s32 $0x100;
	s14 =	simm.s32 $0x0;
	s6 =	sand.u32 $0x1, s1  }
0x5: {  	s30 =	sshll.u32 s0, $0x1;
	s8 =	smul.u32 $0x13C0, s0;
	[smem:$0x7FF] =	sst s4  }
0x6: {  	s31 =	sshll.u32 s0, $0x6;
	s1 =	sor.u32 s6, s30;
	s9 =	smul.u32 $0x13C00, s6  }
0x7: {  	s6 =	ssub.s32 $0x2, s6;
	s7 =	smul.u32 $0x500, s1;
	s1 =	rddreg [dreg:$0x3]  }
0x8: {  	_ =	strace $0x80000047;
	s10 =	sshrl.u32 s8, $0x3;
	s11 =	sshrl.u32 s6, $0x1  }
0x9: {  	s12 =	sadd.s32 s8, s3;
	s9 =	sadd.s32 s8, s9;
	s10 =	sadd.s32 s10, s5  }
0xa: {  	s11 =	ssub.s32 s6, s11;
	s12 =	sshrl.u32 s12, $0x3;
	s7 =	sadd.s32 s7, s5  }
0xb: {  	s9 =	sshrl.u32 s9, $0x3;
	s6 =	sadd.s32 $0xC000, s10;
	s8 =	smax.u32 s11, $0x1  }
0xc: {  	s10 =	simm.s32 $0x2800;
	s11 =	sor.u32 $0x1C01, s31;
	s9 =	sadd.s32 s9, s5  }
0xd: {  	s5 =	sadd.s32 $0x2000, s7;
	s7 =	sadd.s32 $0xE800, s9;
	s9 =	simm.s32 $0x1  }
.LBB2_1:
0xe: {  	[tilespmem:s4], [sflag:$0x1] =	stream.linear.gather [hbm4b:s5+s4], $0x2800, $0x38;
	[tilespmem:$0x43C0] =	vst v63  }
0xf: {  	_ =	swait.ge [sflag:s9], $0x2800  }
0x10: {  	[sflag:s9] =	ssyncset.done $0x0  }
0x11: {  	[sflag:s9] =	ssyncadd.s32 $0xFFFFD800  }
0x12: {  	[tilespmem:s10], [sflag:$0x1] =	stream.linear.gather [hbm4b:s2+s4], $0x800, $0x38;
	[tilespmem:$0x43C0] =	vst v63  }
0x13: {  	_ =	swait.ge [sflag:s9], $0x800  }
0x14: {  	[sflag:s9] =	ssyncset.done $0x0  }
0x15: {  	[sflag:s9] =	ssyncadd.s32 $0xFFFFF800  }
0x16: {  	[spmem:s12], [sflag:s11] =	dma.local [hbm:s6], $0x278  }
0x17: {  	_ =	swait.ge [sflag:s9], $0x278  }
0x18: {  	[sflag:s9] =	ssyncset.done $0x0  }
0x19: {  	[sflag:s9] =	ssyncadd.s32 $0xFFFFFD88  }
0x1a: {  	s15 =	simm.s32 $0x0;
	[bflag:$0x0] =	sbarrier.arrive $0xFFFF  }
0x1b: {  	[spmem:s3] =	stream.indirect.scatter.add.f32 [tilespmem:s10], [sflag:$0x1], $0x8, s15, s13, $0xb8;
	[tilespmem:$0x43C0] =	vst v63  }
0x1c: {  	_ =	swait.ge [sflag:s9], $0x800  }
0x1d: {  	s15 =	simm.s32 $0x400;
	[sflag:s9] =	ssyncset.done $0x0  }
.LBB2_2:
0x1e: {  	s16 =	sshra.s32 s15, $0x2;
	[sflag:s9] =	ssyncadd.s32 $0xFFFFF800;
	p0 =	sne.s32 s15, $0x9C00  }
0x1f: {  	[spmem:s3] =	stream.indirect.scatter.add.f32 [tilespmem:s10], [sflag:$0x1], $0x8, s16, s13, $0xb8;
	[tilespmem:$0x43C0] =	vst v63  }
.Ltmp0:
0x20: {  	_ = 	snop;
	(pc) =	sbr.rel @p0 .LBB2_2-.Ltmp0, $4  }
0x21: {  	_ = 	snop  }
0x22: {  	s15 =	sadd.s32 $0x400, s15  }
0x23: {  	_ =	swait.ge [sflag:s9], $0x800  }
0x24: {  	[sflag:s9] =	ssyncset.done $0x0  }
0x25: {  	s14 =	sadd.s32 $0x1, s14  }
0x26: {  	[sflag:s9] =	ssyncadd.s32 $0xFFFFF800;
	p0 =	sne.s32 s14, s8  }
.Ltmp1:
0x27: {  	[bflag:$0x0] =	sbarrier.arrive $0xFFFF;
	(pc) =	sbr.rel @p0 .LBB2_1-.Ltmp1, $4  }
0x28: {  	[hbm:s7], [sflag:s11] =	dma.local [spmem:s12], $0x278  }
0x29: {  	_ =	swait.ge [sflag:s9], $0x278  }
0x2a: {  	[sflag:s9] =	ssyncset.done $0x0  }
0x2b: {  	[sflag:s9] =	ssyncadd.s32 $0xFFFFFD88  }
0x2c: {  	_ =	sfence.sel $0x180000  }
0x2d: {  	[bflag:$0x0] =	sbarrier.arrive $0xFFFF  }
0x2e: {  	p0 =	sne.s32 s0, $0x0;
	_ =	strace $0x90000047  }
0x2f: {  	s0 =	sadd.s32 @!p0 $0x100000, s1;
	[bflag:$0x2] =	sbarrier.arrive $0xFFFF  }
0x30: {  	[sflag:s0] =	ssyncadd.tile.s32 @!p0 $0x1;
	_ =	shalt  }
.Lfunc_end2:
_tile_overlayer_lowered:
.L_overlay_start_2:
0x31: {  	(tag) =	ssettag $0x2  }
0x32: {  	s0 =	rddreg [dreg:$0x0];
	s2 =	stileid.u32  }
0x33: {  	s1 =	rddreg [dreg:$0x1];
	p0 =	sne.s32 s2, $0x0  }
0x34: {  	s3 =	rddreg [dreg:$0x2];
	[bflag:$0x3] =	sbarrier.arrive $0xFFFF;
	s2 =	simm.s32 @!p0 $0x1C01  }
0x35: {  	[timem:s3], [sflag:s2] =	dma.local @!p0 [hbm:s0], s1  }
0x36: {  	s0 =	simm.s32 @!p0 $0x1  }
0x37: {  	_ =	swait.ge @!p0 [sflag:s0], s1  }
0x38: {  	s1 =	ssub.s32 @!p0 $0x0, s1;
	[sflag:s0] =	ssyncset.done @!p0 $0x0  }
0x39: {  	[sflag:s0] =	ssyncadd.s32 @!p0 s1  }
0x3a: {  	[bflag:$0x3] =	sbarrier.arrive $0xFFFF  }
0x3b: {  	_ =	shalt  }

</sc_bundles>
